<compile_context>
chip_gen: v7x
topology: tpu7x:2x2x1
jax: 0.10.2.dev20260603
libtpu: 0.0.44.dev20260713+nightly
codegen_flags: <defaults>
</compile_context>

<pallas_src>
import functools

import jax
import jax.numpy as jnp
from jax import lax
from jax.experimental import pallas as pl
from jax.experimental.pallas import tpu as pltpu
from jax.experimental.pallas import tpu_sc as plsc

B = 16384
NF = 26
VOCAB = 100000
E = 16
ND = 100
NCONT = ND - NF
OUT = NF * E + NCONT
EMB = NF * E
Q = 104

NC = 2
NS = 16
NW = NC * NS
BPW = B // NW
R = 128
NCHUNK = BPW // R


@functools.partial(
    pl.kernel,
    mesh=plsc.VectorSubcoreMesh(core_axis_name="c", subcore_axis_name="s"),
    out_type=jax.ShapeDtypeStruct((B, OUT), jnp.float32),
    compiler_params=pltpu.CompilerParams(
        use_tc_tiling_on_sc=False, needs_layout_passes=False
    ),
    scratch_types=[
        pltpu.VMEM((R // 2 * ND,), jnp.int32),
        pltpu.VMEM((R * EMB,), jnp.int32),
        pltpu.VMEM((R, OUT), jnp.float32),
        pltpu.SemaphoreType.DMA,
        pltpu.SemaphoreType.DMA,
    ],
)
def _sc_embed(x_hbm, w_hbm, out_hbm, x_v, idx_v, out_v, sem_in, sem_g):
    wid = lax.axis_index("s") * NC + lax.axis_index("c")
    iota = lax.iota(jnp.int32, 16)
    evec = iota * VOCAB

    H = R // 2

    def chunk_body(c, _):
        base = wid * BPW + c * R

        for h in range(2):
            pltpu.async_copy(
                x_hbm.at[pl.ds((base + h * H) * ND, H * ND)], x_v, sem_in
            ).wait()

            def idx_body(r, _):
                ro = (h * H + r) * EMB
                row = r * ND
                for f in range(NF):
                    v16 = x_v[pl.ds(row + f, 16)]
                    idx_v[pl.ds(ro + f * E, 16)] = evec + (
                        v16[0] + f * VOCAB * E
                    )
                return 0

            lax.fori_loop(0, H, idx_body, 0)

            def cont_body(i, _):
                e = i * 16 + iota
                r = e // NCONT
                j = e - NCONT * r
                src = NF + e + (ND - NCONT) * r
                vals = plsc.load_gather(x_v, [src]).astype(jnp.float32)
                plsc.store_scatter(out_v, [h * H + r, EMB + j], vals)
                return 0

            lax.fori_loop(0, H * NCONT // 16, cont_body, 0)

        def fire_body(r, _):
            for q in range(EMB // Q):
                pltpu.async_copy(
                    w_hbm.at[idx_v.at[pl.ds(r * EMB + q * Q, Q)]],
                    out_v.at[r, pl.ds(q * Q, Q)],
                    sem_g,
                )
            return 0

        lax.fori_loop(0, R, fire_body, 0)

        pltpu.make_async_copy(
            x_hbm.at[pl.ds(0, R * EMB)], idx_v, sem_g
        ).wait()

        pltpu.sync_copy(out_v, out_hbm.at[pl.ds(base, R)])
        return 0

    lax.fori_loop(0, NCHUNK, chunk_body, 0)


def kernel(x, W):
    xf = x.reshape(-1)
    wt = W.transpose(0, 2, 1).reshape(-1)
    return _sc_embed(xf, wt)

# --- scband reference (transcript-rebuilt; emitter-appended) ---
"""Pipeline reference for scband-embedding-encoder-2594160247087 (READ-ONLY COPY).

The authoritative reference and input builder live on the scoring server;
editing this copy changes nothing except your own understanding.
"""

import jax, jax.numpy as jnp
import numpy as np

BATCH = 16384
INPUT_DIMS = 100
N_FIELDS = 26
VOCAB = 100000
EMBED = 16


def setup_inputs(seed: int = 0) -> dict:
    key = jax.random.key(seed)
    kx, kw = jax.random.split(key)
    # x holds integer codes; categorical columns 0..25 index embedding tables,
    # columns 26..99 are treated as continuous features (cast to float in forward).
    x = jax.random.randint(kx, (BATCH, INPUT_DIMS), 0, VOCAB, dtype=jnp.int32)
    # 26 embedding tables of shape [VOCAB, EMBED], stacked (all same dims).
    # nn.Embedding default init is N(0, 1).
    W = jax.random.normal(kw, (N_FIELDS, VOCAB, EMBED), dtype=jnp.float32)
    return {"x": x, "W": W}


def reference(x, W):
    # cate_indices = [0..25] (already sorted); conti indices = [26..99].
    # Torch forward iterates columns in order i=0..99:
    #   i in 0..25  -> embedding_layers[i](x[:, i].long())   -> [B, 16]
    #   i in 26..99 -> x[:, i].float().view(-1, 1)           -> [B, 1]
    # then concatenates along dim 1.
    cat_codes = x[:, :N_FIELDS]  # [B, 26]
    # gather: per-field embedding lookup
    emb = W[jnp.arange(N_FIELDS)[None, :], cat_codes]  # [B, 26, 16]
    emb = emb.reshape(x.shape[0], N_FIELDS * EMBED)  # [B, 416]
    conti = x[:, N_FIELDS:].astype(jnp.float32)  # [B, 74]
    return jnp.concatenate([emb, conti], axis=1)  # [B, 490]

if __name__ == "__main__":
    import jax
    _d = setup_inputs()
    print(jax.jit(kernel)(*tuple(_d.values())))

</pallas_src>

<mosaic_0001>
#map = affine_map<(d0, d1) -> (0)>
#map1 = affine_map<(d0, d1) -> (0, 0)>
module attributes {stable_mosaic.version = 14 : i64} {
  func.func @_sc_embed(%arg0: i32, %arg1: i32, %arg2: memref<1638400xi32, #tpu.memory_space<hbm>>, %arg3: memref<41600000xf32, #tpu.memory_space<hbm>>, %arg4: memref<16384x490xf32, #tpu.memory_space<hbm>>, %arg5: memref<6400xi32, #tpu.memory_space<vmem>>, %arg6: memref<53248xi32, #tpu.memory_space<vmem>>, %arg7: memref<128x490xf32, #tpu.memory_space<vmem>>, %arg8: memref<!tpu.dma_semaphore, #tpu.memory_space<semaphore_mem>>, %arg9: memref<!tpu.dma_semaphore, #tpu.memory_space<semaphore_mem>>) attributes {dimension_semantics = [#tpu.dimension_semantics<core_parallel>, #tpu.dimension_semantics<subcore_parallel>], iteration_bounds = array<i64: 2, 16>, scalar_prefetch = 0 : i64, scratch_operands = 5 : i64, tpu.core_type = #tpu.core_type<sc_vector_subcore>, window_params = [{transform_indices = #map}, {transform_indices = #map}, {transform_indices = #map1}]} {
    %mul3A = arith.constant 2 : i32
    %mul3A_0 = arith.muli %arg1, %mul3A : i32
    %add3A = arith.addi %mul3A_0, %arg0 : i32
    %iota3A = tpu.iota {dimensions = array<i32: 0>} : vector<16xi32>
    %mul3A_1 = arith.constant 100000 : i32
    %mul3A_2 = vector.broadcast %mul3A_1 : i32 to vector<16xi32>
    %mul3A_3 = arith.muli %iota3A, %mul3A_2 : vector<16xi32>
    %scan3A = arith.constant 0 : i32
    %scan3A_4 = arith.constant 0 : i32
    %scan3A_5 = arith.constant 4 : i32
    %scan3A_6 = arith.addi %scan3A_4, %scan3A_5 : i32
    %scan3A_7 = arith.constant 1 : i32
    %scan3A_8 = scf.for %scan3A_10 = %scan3A_4 to %scan3A_6 step %scan3A_7 iter_args(%scan3A_11 = %scan3A) -> (i32)  : i32 {
      %mul3A_12 = arith.constant 512 : i32
      %mul3A_13 = arith.muli %add3A, %mul3A_12 : i32
      %mul3A_14 = arith.constant 128 : i32
      %mul3A_15 = arith.muli %scan3A_10, %mul3A_14 : i32
      %add3A_16 = arith.addi %mul3A_13, %mul3A_15 : i32
      %add3A_17 = arith.constant 0 : i32
      %add3A_18 = arith.addi %add3A_16, %add3A_17 : i32
      %mul3A_19 = arith.constant 100 : i32
      %mul3A_20 = arith.muli %add3A_18, %mul3A_19 : i32
      %dma_start3A = tpu.memref_slice %arg2[%mul3A_20] : memref<1638400xi32, #tpu.memory_space<hbm>> -> memref<6400xi32, #tpu.memory_space<hbm>>
      %dma_start3A_21 = tpu.memref_slice %arg2[%mul3A_20] : memref<1638400xi32, #tpu.memory_space<hbm>> -> memref<6400xi32, #tpu.memory_space<hbm>>
      tpu.enqueue_dma source(%dma_start3A_21 : memref<6400xi32, #tpu.memory_space<hbm>>) target(%arg5 : memref<6400xi32, #tpu.memory_space<vmem>>) target_semaphore(%arg8 : memref<!tpu.dma_semaphore, #tpu.memory_space<semaphore_mem>>)
      %dma_wait3A = tpu.memref_slice %arg2[%mul3A_20] : memref<1638400xi32, #tpu.memory_space<hbm>> -> memref<6400xi32, #tpu.memory_space<hbm>>
      %dma_wait3A_22 = tpu.memref_slice %arg2[%mul3A_20] : memref<1638400xi32, #tpu.memory_space<hbm>> -> memref<6400xi32, #tpu.memory_space<hbm>>
      tpu.wait_dma2 semaphore(%arg8 : memref<!tpu.dma_semaphore, #tpu.memory_space<semaphore_mem>>) src(%dma_wait3A_22 : memref<6400xi32, #tpu.memory_space<hbm>>) dst(%arg5 : memref<6400xi32, #tpu.memory_space<vmem>>)
      %scan3A_23 = arith.constant 0 : i32
      %scan3A_24 = arith.constant 0 : i32
      %scan3A_25 = arith.constant 64 : i32
      %scan3A_26 = arith.addi %scan3A_24, %scan3A_25 : i32
      %scan3A_27 = arith.constant 1 : i32
      %scan3A_28 = scf.for %scan3A_71 = %scan3A_24 to %scan3A_26 step %scan3A_27 iter_args(%scan3A_72 = %scan3A_23) -> (i32)  : i32 {
        %add3A_73 = arith.constant 0 : i32
        %add3A_74 = arith.addi %add3A_73, %scan3A_71 : i32
        %mul3A_75 = arith.constant 416 : i32
        %mul3A_76 = arith.muli %add3A_74, %mul3A_75 : i32
        %mul3A_77 = arith.constant 100 : i32
        %mul3A_78 = arith.muli %scan3A_71, %mul3A_77 : i32
        %add3A_79 = arith.constant 0 : i32
        %add3A_80 = arith.addi %mul3A_78, %add3A_79 : i32
        %get3A = arith.index_cast %add3A_80 : i32 to index
        %get3A_81 = tpu.vector_load %arg5[%get3A] {strides = array<i32>} : memref<6400xi32, #tpu.memory_space<vmem>>, vector<16xi32>,
        %slice3A = vector.extract_strided_slice %get3A_81 {offsets = [0], sizes = [1], strides = [1]} : vector<16xi32> to vector<1xi32>
        %squeeze3A = vector.extract %slice3A[0] : i32 from vector<1xi32>
        %add3A_82 = arith.constant 0 : i32
        %add3A_83 = arith.addi %squeeze3A, %add3A_82 : i32
        %add3A_84 = vector.broadcast %add3A_83 : i32 to vector<16xi32>
        %add3A_85 = arith.addi %mul3A_3, %add3A_84 : vector<16xi32>
        %add3A_86 = arith.constant 0 : i32
        %add3A_87 = arith.addi %mul3A_76, %add3A_86 : i32
        %swap3A = arith.index_cast %add3A_87 : i32 to index
        %swap3A_88 = tpu.vector_load %arg6[%swap3A] {strides = array<i32>} : memref<53248xi32, #tpu.memory_space<vmem>>, vector<16xi32>,
        tpu.vector_store %arg6[%swap3A], %add3A_85 {strides = array<i32>} : memref<53248xi32, #tpu.memory_space<vmem>>, vector<16xi32>,
        %add3A_89 = arith.constant 1 : i32
        %add3A_90 = arith.addi %mul3A_78, %add3A_89 : i32
        %get3A_91 = arith.index_cast %add3A_90 : i32 to index
        %get3A_92 = tpu.vector_load %arg5[%get3A_91] {strides = array<i32>} : memref<6400xi32, #tpu.memory_space<vmem>>, vector<16xi32>,
        %slice3A_93 = vector.extract_strided_slice %get3A_92 {offsets = [0], sizes = [1], strides = [1]} : vector<16xi32> to vector<1xi32>
        %squeeze3A_94 = vector.extract %slice3A_93[0] : i32 from vector<1xi32>
        %add3A_95 = arith.constant 1600000 : i32
        %add3A_96 = arith.addi %squeeze3A_94, %add3A_95 : i32
        %add3A_97 = vector.broadcast %add3A_96 : i32 to vector<16xi32>
        %add3A_98 = arith.addi %mul3A_3, %add3A_97 : vector<16xi32>
        %add3A_99 = arith.constant 16 : i32
        %add3A_100 = arith.addi %mul3A_76, %add3A_99 : i32
        %swap3A_101 = arith.index_cast %add3A_100 : i32 to index
        %swap3A_102 = tpu.vector_load %arg6[%swap3A_101] {strides = array<i32>} : memref<53248xi32, #tpu.memory_space<vmem>>, vector<16xi32>,
        tpu.vector_store %arg6[%swap3A_101], %add3A_98 {strides = array<i32>} : memref<53248xi32, #tpu.memory_space<vmem>>, vector<16xi32>,
        %add3A_103 = arith.constant 2 : i32
        %add3A_104 = arith.addi %mul3A_78, %add3A_103 : i32
        %get3A_105 = arith.index_cast %add3A_104 : i32 to index
        %get3A_106 = tpu.vector_load %arg5[%get3A_105] {strides = array<i32>} : memref<6400xi32, #tpu.memory_space<vmem>>, vector<16xi32>,
        %slice3A_107 = vector.extract_strided_slice %get3A_106 {offsets = [0], sizes = [1], strides = [1]} : vector<16xi32> to vector<1xi32>
        %squeeze3A_108 = vector.extract %slice3A_107[0] : i32 from vector<1xi32>
        %add3A_109 = arith.constant 3200000 : i32
        %add3A_110 = arith.addi %squeeze3A_108, %add3A_109 : i32
        %add3A_111 = vector.broadcast %add3A_110 : i32 to vector<16xi32>
        %add3A_112 = arith.addi %mul3A_3, %add3A_111 : vector<16xi32>
        %add3A_113 = arith.constant 32 : i32
        %add3A_114 = arith.addi %mul3A_76, %add3A_113 : i32
        %swap3A_115 = arith.index_cast %add3A_114 : i32 to index
        %swap3A_116 = tpu.vector_load %arg6[%swap3A_115] {strides = array<i32>} : memref<53248xi32, #tpu.memory_space<vmem>>, vector<16xi32>,
        tpu.vector_store %arg6[%swap3A_115], %add3A_112 {strides = array<i32>} : memref<53248xi32, #tpu.memory_space<vmem>>, vector<16xi32>,
        %add3A_117 = arith.constant 3 : i32
        %add3A_118 = arith.addi %mul3A_78, %add3A_117 : i32
        %get3A_119 = arith.index_cast %add3A_118 : i32 to index
        %get3A_120 = tpu.vector_load %arg5[%get3A_119] {strides = array<i32>} : memref<6400xi32, #tpu.memory_space<vmem>>, vector<16xi32>,
        %slice3A_121 = vector.extract_strided_slice %get3A_120 {offsets = [0], sizes = [1], strides = [1]} : vector<16xi32> to vector<1xi32>
        %squeeze3A_122 = vector.extract %slice3A_121[0] : i32 from vector<1xi32>
        %add3A_123 = arith.constant 4800000 : i32
        %add3A_124 = arith.addi %squeeze3A_122, %add3A_123 : i32
        %add3A_125 = vector.broadcast %add3A_124 : i32 to vector<16xi32>
        %add3A_126 = arith.addi %mul3A_3, %add3A_125 : vector<16xi32>
        %add3A_127 = arith.constant 48 : i32
        %add3A_128 = arith.addi %mul3A_76, %add3A_127 : i32
        %swap3A_129 = arith.index_cast %add3A_128 : i32 to index
        %swap3A_130 = tpu.vector_load %arg6[%swap3A_129] {strides = array<i32>} : memref<53248xi32, #tpu.memory_space<vmem>>, vector<16xi32>,
        tpu.vector_store %arg6[%swap3A_129], %add3A_126 {strides = array<i32>} : memref<53248xi32, #tpu.memory_space<vmem>>, vector<16xi32>,
        %add3A_131 = arith.constant 4 : i32
        %add3A_132 = arith.addi %mul3A_78, %add3A_131 : i32
        %get3A_133 = arith.index_cast %add3A_132 : i32 to index
        %get3A_134 = tpu.vector_load %arg5[%get3A_133] {strides = array<i32>} : memref<6400xi32, #tpu.memory_space<vmem>>, vector<16xi32>,
        %slice3A_135 = vector.extract_strided_slice %get3A_134 {offsets = [0], sizes = [1], strides = [1]} : vector<16xi32> to vector<1xi32>
        %squeeze3A_136 = vector.extract %slice3A_135[0] : i32 from vector<1xi32>
        %add3A_137 = arith.constant 6400000 : i32
        %add3A_138 = arith.addi %squeeze3A_136, %add3A_137 : i32
        %add3A_139 = vector.broadcast %add3A_138 : i32 to vector<16xi32>
        %add3A_140 = arith.addi %mul3A_3, %add3A_139 : vector<16xi32>
        %add3A_141 = arith.constant 64 : i32
        %add3A_142 = arith.addi %mul3A_76, %add3A_141 : i32
        %swap3A_143 = arith.index_cast %add3A_142 : i32 to index
        %swap3A_144 = tpu.vector_load %arg6[%swap3A_143] {strides = array<i32>} : memref<53248xi32, #tpu.memory_space<vmem>>, vector<16xi32>,
        tpu.vector_store %arg6[%swap3A_143], %add3A_140 {strides = array<i32>} : memref<53248xi32, #tpu.memory_space<vmem>>, vector<16xi32>,
        %add3A_145 = arith.constant 5 : i32
        %add3A_146 = arith.addi %mul3A_78, %add3A_145 : i32
        %get3A_147 = arith.index_cast %add3A_146 : i32 to index
        %get3A_148 = tpu.vector_load %arg5[%get3A_147] {strides = array<i32>} : memref<6400xi32, #tpu.memory_space<vmem>>, vector<16xi32>,
        %slice3A_149 = vector.extract_strided_slice %get3A_148 {offsets = [0], sizes = [1], strides = [1]} : vector<16xi32> to vector<1xi32>
        %squeeze3A_150 = vector.extract %slice3A_149[0] : i32 from vector<1xi32>
        %add3A_151 = arith.constant 8000000 : i32
        %add3A_152 = arith.addi %squeeze3A_150, %add3A_151 : i32
        %add3A_153 = vector.broadcast %add3A_152 : i32 to vector<16xi32>
        %add3A_154 = arith.addi %mul3A_3, %add3A_153 : vector<16xi32>
        %add3A_155 = arith.constant 80 : i32
        %add3A_156 = arith.addi %mul3A_76, %add3A_155 : i32
        %swap3A_157 = arith.index_cast %add3A_156 : i32 to index
        %swap3A_158 = tpu.vector_load %arg6[%swap3A_157] {strides = array<i32>} : memref<53248xi32, #tpu.memory_space<vmem>>, vector<16xi32>,
        tpu.vector_store %arg6[%swap3A_157], %add3A_154 {strides = array<i32>} : memref<53248xi32, #tpu.memory_space<vmem>>, vector<16xi32>,
        %add3A_159 = arith.constant 6 : i32
        %add3A_160 = arith.addi %mul3A_78, %add3A_159 : i32
        %get3A_161 = arith.index_cast %add3A_160 : i32 to index
        %get3A_162 = tpu.vector_load %arg5[%get3A_161] {strides = array<i32>} : memref<6400xi32, #tpu.memory_space<vmem>>, vector<16xi32>,
        %slice3A_163 = vector.extract_strided_slice %get3A_162 {offsets = [0], sizes = [1], strides = [1]} : vector<16xi32> to vector<1xi32>
        %squeeze3A_164 = vector.extract %slice3A_163[0] : i32 from vector<1xi32>
        %add3A_165 = arith.constant 9600000 : i32
        %add3A_166 = arith.addi %squeeze3A_164, %add3A_165 : i32
        %add3A_167 = vector.broadcast %add3A_166 : i32 to vector<16xi32>
        %add3A_168 = arith.addi %mul3A_3, %add3A_167 : vector<16xi32>
        %add3A_169 = arith.constant 96 : i32
        %add3A_170 = arith.addi %mul3A_76, %add3A_169 : i32
        %swap3A_171 = arith.index_cast %add3A_170 : i32 to index
        %swap3A_172 = tpu.vector_load %arg6[%swap3A_171] {strides = array<i32>} : memref<53248xi32, #tpu.memory_space<vmem>>, vector<16xi32>,
        tpu.vector_store %arg6[%swap3A_171], %add3A_168 {strides = array<i32>} : memref<53248xi32, #tpu.memory_space<vmem>>, vector<16xi32>,
        %add3A_173 = arith.constant 7 : i32
        %add3A_174 = arith.addi %mul3A_78, %add3A_173 : i32
        %get3A_175 = arith.index_cast %add3A_174 : i32 to index
        %get3A_176 = tpu.vector_load %arg5[%get3A_175] {strides = array<i32>} : memref<6400xi32, #tpu.memory_space<vmem>>, vector<16xi32>,
        %slice3A_177 = vector.extract_strided_slice %get3A_176 {offsets = [0], sizes = [1], strides = [1]} : vector<16xi32> to vector<1xi32>
        %squeeze3A_178 = vector.extract %slice3A_177[0] : i32 from vector<1xi32>
        %add3A_179 = arith.constant 11200000 : i32
        %add3A_180 = arith.addi %squeeze3A_178, %add3A_179 : i32
        %add3A_181 = vector.broadcast %add3A_180 : i32 to vector<16xi32>
        %add3A_182 = arith.addi %mul3A_3, %add3A_181 : vector<16xi32>
        %add3A_183 = arith.constant 112 : i32
        %add3A_184 = arith.addi %mul3A_76, %add3A_183 : i32
        %swap3A_185 = arith.index_cast %add3A_184 : i32 to index
        %swap3A_186 = tpu.vector_load %arg6[%swap3A_185] {strides = array<i32>} : memref<53248xi32, #tpu.memory_space<vmem>>, vector<16xi32>,
        tpu.vector_store %arg6[%swap3A_185], %add3A_182 {strides = array<i32>} : memref<53248xi32, #tpu.memory_space<vmem>>, vector<16xi32>,
        %add3A_187 = arith.constant 8 : i32
        %add3A_188 = arith.addi %mul3A_78, %add3A_187 : i32
        %get3A_189 = arith.index_cast %add3A_188 : i32 to index
        %get3A_190 = tpu.vector_load %arg5[%get3A_189] {strides = array<i32>} : memref<6400xi32, #tpu.memory_space<vmem>>, vector<16xi32>,
        %slice3A_191 = vector.extract_strided_slice %get3A_190 {offsets = [0], sizes = [1], strides = [1]} : vector<16xi32> to vector<1xi32>
        %squeeze3A_192 = vector.extract %slice3A_191[0] : i32 from vector<1xi32>
        %add3A_193 = arith.constant 12800000 : i32
        %add3A_194 = arith.addi %squeeze3A_192, %add3A_193 : i32
        %add3A_195 = vector.broadcast %add3A_194 : i32 to vector<16xi32>
        %add3A_196 = arith.addi %mul3A_3, %add3A_195 : vector<16xi32>
        %add3A_197 = arith.constant 128 : i32
        %add3A_198 = arith.addi %mul3A_76, %add3A_197 : i32
        %swap3A_199 = arith.index_cast %add3A_198 : i32 to index
        %swap3A_200 = tpu.vector_load %arg6[%swap3A_199] {strides = array<i32>} : memref<53248xi32, #tpu.memory_space<vmem>>, vector<16xi32>,
        tpu.vector_store %arg6[%swap3A_199], %add3A_196 {strides = array<i32>} : memref<53248xi32, #tpu.memory_space<vmem>>, vector<16xi32>,
        %add3A_201 = arith.constant 9 : i32
        %add3A_202 = arith.addi %mul3A_78, %add3A_201 : i32
        %get3A_203 = arith.index_cast %add3A_202 : i32 to index
        %get3A_204 = tpu.vector_load %arg5[%get3A_203] {strides = array<i32>} : memref<6400xi32, #tpu.memory_space<vmem>>, vector<16xi32>,
        %slice3A_205 = vector.extract_strided_slice %get3A_204 {offsets = [0], sizes = [1], strides = [1]} : vector<16xi32> to vector<1xi32>
        %squeeze3A_206 = vector.extract %slice3A_205[0] : i32 from vector<1xi32>
        %add3A_207 = arith.constant 14400000 : i32
        %add3A_208 = arith.addi %squeeze3A_206, %add3A_207 : i32
        %add3A_209 = vector.broadcast %add3A_208 : i32 to vector<16xi32>
        %add3A_210 = arith.addi %mul3A_3, %add3A_209 : vector<16xi32>
        %add3A_211 = arith.constant 144 : i32
        %add3A_212 = arith.addi %mul3A_76, %add3A_211 : i32
        %swap3A_213 = arith.index_cast %add3A_212 : i32 to index
        %swap3A_214 = tpu.vector_load %arg6[%swap3A_213] {strides = array<i32>} : memref<53248xi32, #tpu.memory_space<vmem>>, vector<16xi32>,
        tpu.vector_store %arg6[%swap3A_213], %add3A_210 {strides = array<i32>} : memref<53248xi32, #tpu.memory_space<vmem>>, vector<16xi32>,
        %add3A_215 = arith.constant 10 : i32
        %add3A_216 = arith.addi %mul3A_78, %add3A_215 : i32
        %get3A_217 = arith.index_cast %add3A_216 : i32 to index
        %get3A_218 = tpu.vector_load %arg5[%get3A_217] {strides = array<i32>} : memref<6400xi32, #tpu.memory_space<vmem>>, vector<16xi32>,
        %slice3A_219 = vector.extract_strided_slice %get3A_218 {offsets = [0], sizes = [1], strides = [1]} : vector<16xi32> to vector<1xi32>
        %squeeze3A_220 = vector.extract %slice3A_219[0] : i32 from vector<1xi32>
        %add3A_221 = arith.constant 16000000 : i32
        %add3A_222 = arith.addi %squeeze3A_220, %add3A_221 : i32
        %add3A_223 = vector.broadcast %add3A_222 : i32 to vector<16xi32>
        %add3A_224 = arith.addi %mul3A_3, %add3A_223 : vector<16xi32>
        %add3A_225 = arith.constant 160 : i32
        %add3A_226 = arith.addi %mul3A_76, %add3A_225 : i32
        %swap3A_227 = arith.index_cast %add3A_226 : i32 to index
        %swap3A_228 = tpu.vector_load %arg6[%swap3A_227] {strides = array<i32>} : memref<53248xi32, #tpu.memory_space<vmem>>, vector<16xi32>,
        tpu.vector_store %arg6[%swap3A_227], %add3A_224 {strides = array<i32>} : memref<53248xi32, #tpu.memory_space<vmem>>, vector<16xi32>,
        %add3A_229 = arith.constant 11 : i32
        %add3A_230 = arith.addi %mul3A_78, %add3A_229 : i32
        %get3A_231 = arith.index_cast %add3A_230 : i32 to index
        %get3A_232 = tpu.vector_load %arg5[%get3A_231] {strides = array<i32>} : memref<6400xi32, #tpu.memory_space<vmem>>, vector<16xi32>,
        %slice3A_233 = vector.extract_strided_slice %get3A_232 {offsets = [0], sizes = [1], strides = [1]} : vector<16xi32> to vector<1xi32>
        %squeeze3A_234 = vector.extract %slice3A_233[0] : i32 from vector<1xi32>
        %add3A_235 = arith.constant 17600000 : i32
        %add3A_236 = arith.addi %squeeze3A_234, %add3A_235 : i32
        %add3A_237 = vector.broadcast %add3A_236 : i32 to vector<16xi32>
        %add3A_238 = arith.addi %mul3A_3, %add3A_237 : vector<16xi32>
        %add3A_239 = arith.constant 176 : i32
        %add3A_240 = arith.addi %mul3A_76, %add3A_239 : i32
        %swap3A_241 = arith.index_cast %add3A_240 : i32 to index
        %swap3A_242 = tpu.vector_load %arg6[%swap3A_241] {strides = array<i32>} : memref<53248xi32, #tpu.memory_space<vmem>>, vector<16xi32>,
        tpu.vector_store %arg6[%swap3A_241], %add3A_238 {strides = array<i32>} : memref<53248xi32, #tpu.memory_space<vmem>>, vector<16xi32>,
        %add3A_243 = arith.constant 12 : i32
        %add3A_244 = arith.addi %mul3A_78, %add3A_243 : i32
        %get3A_245 = arith.index_cast %add3A_244 : i32 to index
        %get3A_246 = tpu.vector_load %arg5[%get3A_245] {strides = array<i32>} : memref<6400xi32, #tpu.memory_space<vmem>>, vector<16xi32>,
        %slice3A_247 = vector.extract_strided_slice %get3A_246 {offsets = [0], sizes = [1], strides = [1]} : vector<16xi32> to vector<1xi32>
        %squeeze3A_248 = vector.extract %slice3A_247[0] : i32 from vector<1xi32>
        %add3A_249 = arith.constant 19200000 : i32
        %add3A_250 = arith.addi %squeeze3A_248, %add3A_249 : i32
        %add3A_251 = vector.broadcast %add3A_250 : i32 to vector<16xi32>
        %add3A_252 = arith.addi %mul3A_3, %add3A_251 : vector<16xi32>
        %add3A_253 = arith.constant 192 : i32
        %add3A_254 = arith.addi %mul3A_76, %add3A_253 : i32
        %swap3A_255 = arith.index_cast %add3A_254 : i32 to index
        %swap3A_256 = tpu.vector_load %arg6[%swap3A_255] {strides = array<i32>} : memref<53248xi32, #tpu.memory_space<vmem>>, vector<16xi32>,
        tpu.vector_store %arg6[%swap3A_255], %add3A_252 {strides = array<i32>} : memref<53248xi32, #tpu.memory_space<vmem>>, vector<16xi32>,
        %add3A_257 = arith.constant 13 : i32
        %add3A_258 = arith.addi %mul3A_78, %add3A_257 : i32
        %get3A_259 = arith.index_cast %add3A_258 : i32 to index
        %get3A_260 = tpu.vector_load %arg5[%get3A_259] {strides = array<i32>} : memref<6400xi32, #tpu.memory_space<vmem>>, vector<16xi32>,
        %slice3A_261 = vector.extract_strided_slice %get3A_260 {offsets = [0], sizes = [1], strides = [1]} : vector<16xi32> to vector<1xi32>
        %squeeze3A_262 = vector.extract %slice3A_261[0] : i32 from vector<1xi32>
        %add3A_263 = arith.constant 20800000 : i32
        %add3A_264 = arith.addi %squeeze3A_262, %add3A_263 : i32
        %add3A_265 = vector.broadcast %add3A_264 : i32 to vector<16xi32>
        %add3A_266 = arith.addi %mul3A_3, %add3A_265 : vector<16xi32>
        %add3A_267 = arith.constant 208 : i32
        %add3A_268 = arith.addi %mul3A_76, %add3A_267 : i32
        %swap3A_269 = arith.index_cast %add3A_268 : i32 to index
        %swap3A_270 = tpu.vector_load %arg6[%swap3A_269] {strides = array<i32>} : memref<53248xi32, #tpu.memory_space<vmem>>, vector<16xi32>,
        tpu.vector_store %arg6[%swap3A_269], %add3A_266 {strides = array<i32>} : memref<53248xi32, #tpu.memory_space<vmem>>, vector<16xi32>,
        %add3A_271 = arith.constant 14 : i32
        %add3A_272 = arith.addi %mul3A_78, %add3A_271 : i32
        %get3A_273 = arith.index_cast %add3A_272 : i32 to index
        %get3A_274 = tpu.vector_load %arg5[%get3A_273] {strides = array<i32>} : memref<6400xi32, #tpu.memory_space<vmem>>, vector<16xi32>,
        %slice3A_275 = vector.extract_strided_slice %get3A_274 {offsets = [0], sizes = [1], strides = [1]} : vector<16xi32> to vector<1xi32>
        %squeeze3A_276 = vector.extract %slice3A_275[0] : i32 from vector<1xi32>
        %add3A_277 = arith.constant 22400000 : i32
        %add3A_278 = arith.addi %squeeze3A_276, %add3A_277 : i32
        %add3A_279 = vector.broadcast %add3A_278 : i32 to vector<16xi32>
        %add3A_280 = arith.addi %mul3A_3, %add3A_279 : vector<16xi32>
        %add3A_281 = arith.constant 224 : i32
        %add3A_282 = arith.addi %mul3A_76, %add3A_281 : i32
        %swap3A_283 = arith.index_cast %add3A_282 : i32 to index
        %swap3A_284 = tpu.vector_load %arg6[%swap3A_283] {strides = array<i32>} : memref<53248xi32, #tpu.memory_space<vmem>>, vector<16xi32>,
        tpu.vector_store %arg6[%swap3A_283], %add3A_280 {strides = array<i32>} : memref<53248xi32, #tpu.memory_space<vmem>>, vector<16xi32>,
        %add3A_285 = arith.constant 15 : i32
        %add3A_286 = arith.addi %mul3A_78, %add3A_285 : i32
        %get3A_287 = arith.index_cast %add3A_286 : i32 to index
        %get3A_288 = tpu.vector_load %arg5[%get3A_287] {strides = array<i32>} : memref<6400xi32, #tpu.memory_space<vmem>>, vector<16xi32>,
        %slice3A_289 = vector.extract_strided_slice %get3A_288 {offsets = [0], sizes = [1], strides = [1]} : vector<16xi32> to vector<1xi32>
        %squeeze3A_290 = vector.extract %slice3A_289[0] : i32 from vector<1xi32>
        %add3A_291 = arith.constant 24000000 : i32
        %add3A_292 = arith.addi %squeeze3A_290, %add3A_291 : i32
        %add3A_293 = vector.broadcast %add3A_292 : i32 to vector<16xi32>
        %add3A_294 = arith.addi %mul3A_3, %add3A_293 : vector<16xi32>
        %add3A_295 = arith.constant 240 : i32
        %add3A_296 = arith.addi %mul3A_76, %add3A_295 : i32
        %swap3A_297 = arith.index_cast %add3A_296 : i32 to index
        %swap3A_298 = tpu.vector_load %arg6[%swap3A_297] {strides = array<i32>} : memref<53248xi32, #tpu.memory_space<vmem>>, vector<16xi32>,
        tpu.vector_store %arg6[%swap3A_297], %add3A_294 {strides = array<i32>} : memref<53248xi32, #tpu.memory_space<vmem>>, vector<16xi32>,
        %add3A_299 = arith.constant 16 : i32
        %add3A_300 = arith.addi %mul3A_78, %add3A_299 : i32
        %get3A_301 = arith.index_cast %add3A_300 : i32 to index
        %get3A_302 = tpu.vector_load %arg5[%get3A_301] {strides = array<i32>} : memref<6400xi32, #tpu.memory_space<vmem>>, vector<16xi32>,
        %slice3A_303 = vector.extract_strided_slice %get3A_302 {offsets = [0], sizes = [1], strides = [1]} : vector<16xi32> to vector<1xi32>
        %squeeze3A_304 = vector.extract %slice3A_303[0] : i32 from vector<1xi32>
        %add3A_305 = arith.constant 25600000 : i32
        %add3A_306 = arith.addi %squeeze3A_304, %add3A_305 : i32
        %add3A_307 = vector.broadcast %add3A_306 : i32 to vector<16xi32>
        %add3A_308 = arith.addi %mul3A_3, %add3A_307 : vector<16xi32>
        %add3A_309 = arith.constant 256 : i32
        %add3A_310 = arith.addi %mul3A_76, %add3A_309 : i32
        %swap3A_311 = arith.index_cast %add3A_310 : i32 to index
        %swap3A_312 = tpu.vector_load %arg6[%swap3A_311] {strides = array<i32>} : memref<53248xi32, #tpu.memory_space<vmem>>, vector<16xi32>,
        tpu.vector_store %arg6[%swap3A_311], %add3A_308 {strides = array<i32>} : memref<53248xi32, #tpu.memory_space<vmem>>, vector<16xi32>,
        %add3A_313 = arith.constant 17 : i32
        %add3A_314 = arith.addi %mul3A_78, %add3A_313 : i32
        %get3A_315 = arith.index_cast %add3A_314 : i32 to index
        %get3A_316 = tpu.vector_load %arg5[%get3A_315] {strides = array<i32>} : memref<6400xi32, #tpu.memory_space<vmem>>, vector<16xi32>,
        %slice3A_317 = vector.extract_strided_slice %get3A_316 {offsets = [0], sizes = [1], strides = [1]} : vector<16xi32> to vector<1xi32>
        %squeeze3A_318 = vector.extract %slice3A_317[0] : i32 from vector<1xi32>
        %add3A_319 = arith.constant 27200000 : i32
        %add3A_320 = arith.addi %squeeze3A_318, %add3A_319 : i32
        %add3A_321 = vector.broadcast %add3A_320 : i32 to vector<16xi32>
        %add3A_322 = arith.addi %mul3A_3, %add3A_321 : vector<16xi32>
        %add3A_323 = arith.constant 272 : i32
        %add3A_324 = arith.addi %mul3A_76, %add3A_323 : i32
        %swap3A_325 = arith.index_cast %add3A_324 : i32 to index
        %swap3A_326 = tpu.vector_load %arg6[%swap3A_325] {strides = array<i32>} : memref<53248xi32, #tpu.memory_space<vmem>>, vector<16xi32>,
        tpu.vector_store %arg6[%swap3A_325], %add3A_322 {strides = array<i32>} : memref<53248xi32, #tpu.memory_space<vmem>>, vector<16xi32>,
        %add3A_327 = arith.constant 18 : i32
        %add3A_328 = arith.addi %mul3A_78, %add3A_327 : i32
        %get3A_329 = arith.index_cast %add3A_328 : i32 to index
        %get3A_330 = tpu.vector_load %arg5[%get3A_329] {strides = array<i32>} : memref<6400xi32, #tpu.memory_space<vmem>>, vector<16xi32>,
        %slice3A_331 = vector.extract_strided_slice %get3A_330 {offsets = [0], sizes = [1], strides = [1]} : vector<16xi32> to vector<1xi32>
        %squeeze3A_332 = vector.extract %slice3A_331[0] : i32 from vector<1xi32>
        %add3A_333 = arith.constant 28800000 : i32
        %add3A_334 = arith.addi %squeeze3A_332, %add3A_333 : i32
        %add3A_335 = vector.broadcast %add3A_334 : i32 to vector<16xi32>
        %add3A_336 = arith.addi %mul3A_3, %add3A_335 : vector<16xi32>
        %add3A_337 = arith.constant 288 : i32
        %add3A_338 = arith.addi %mul3A_76, %add3A_337 : i32
        %swap3A_339 = arith.index_cast %add3A_338 : i32 to index
        %swap3A_340 = tpu.vector_load %arg6[%swap3A_339] {strides = array<i32>} : memref<53248xi32, #tpu.memory_space<vmem>>, vector<16xi32>,
        tpu.vector_store %arg6[%swap3A_339], %add3A_336 {strides = array<i32>} : memref<53248xi32, #tpu.memory_space<vmem>>, vector<16xi32>,
        %add3A_341 = arith.constant 19 : i32
        %add3A_342 = arith.addi %mul3A_78, %add3A_341 : i32
        %get3A_343 = arith.index_cast %add3A_342 : i32 to index
        %get3A_344 = tpu.vector_load %arg5[%get3A_343] {strides = array<i32>} : memref<6400xi32, #tpu.memory_space<vmem>>, vector<16xi32>,
        %slice3A_345 = vector.extract_strided_slice %get3A_344 {offsets = [0], sizes = [1], strides = [1]} : vector<16xi32> to vector<1xi32>
        %squeeze3A_346 = vector.extract %slice3A_345[0] : i32 from vector<1xi32>
        %add3A_347 = arith.constant 30400000 : i32
        %add3A_348 = arith.addi %squeeze3A_346, %add3A_347 : i32
        %add3A_349 = vector.broadcast %add3A_348 : i32 to vector<16xi32>
        %add3A_350 = arith.addi %mul3A_3, %add3A_349 : vector<16xi32>
        %add3A_351 = arith.constant 304 : i32
        %add3A_352 = arith.addi %mul3A_76, %add3A_351 : i32
        %swap3A_353 = arith.index_cast %add3A_352 : i32 to index
        %swap3A_354 = tpu.vector_load %arg6[%swap3A_353] {strides = array<i32>} : memref<53248xi32, #tpu.memory_space<vmem>>, vector<16xi32>,
        tpu.vector_store %arg6[%swap3A_353], %add3A_350 {strides = array<i32>} : memref<53248xi32, #tpu.memory_space<vmem>>, vector<16xi32>,
        %add3A_355 = arith.constant 20 : i32
        %add3A_356 = arith.addi %mul3A_78, %add3A_355 : i32
        %get3A_357 = arith.index_cast %add3A_356 : i32 to index
        %get3A_358 = tpu.vector_load %arg5[%get3A_357] {strides = array<i32>} : memref<6400xi32, #tpu.memory_space<vmem>>, vector<16xi32>,
        %slice3A_359 = vector.extract_strided_slice %get3A_358 {offsets = [0], sizes = [1], strides = [1]} : vector<16xi32> to vector<1xi32>
        %squeeze3A_360 = vector.extract %slice3A_359[0] : i32 from vector<1xi32>
        %add3A_361 = arith.constant 32000000 : i32
        %add3A_362 = arith.addi %squeeze3A_360, %add3A_361 : i32
        %add3A_363 = vector.broadcast %add3A_362 : i32 to vector<16xi32>
        %add3A_364 = arith.addi %mul3A_3, %add3A_363 : vector<16xi32>
        %add3A_365 = arith.constant 320 : i32
        %add3A_366 = arith.addi %mul3A_76, %add3A_365 : i32
        %swap3A_367 = arith.index_cast %add3A_366 : i32 to index
        %swap3A_368 = tpu.vector_load %arg6[%swap3A_367] {strides = array<i32>} : memref<53248xi32, #tpu.memory_space<vmem>>, vector<16xi32>,
        tpu.vector_store %arg6[%swap3A_367], %add3A_364 {strides = array<i32>} : memref<53248xi32, #tpu.memory_space<vmem>>, vector<16xi32>,
        %add3A_369 = arith.constant 21 : i32
        %add3A_370 = arith.addi %mul3A_78, %add3A_369 : i32
        %get3A_371 = arith.index_cast %add3A_370 : i32 to index
        %get3A_372 = tpu.vector_load %arg5[%get3A_371] {strides = array<i32>} : memref<6400xi32, #tpu.memory_space<vmem>>, vector<16xi32>,
        %slice3A_373 = vector.extract_strided_slice %get3A_372 {offsets = [0], sizes = [1], strides = [1]} : vector<16xi32> to vector<1xi32>
        %squeeze3A_374 = vector.extract %slice3A_373[0] : i32 from vector<1xi32>
        %add3A_375 = arith.constant 33600000 : i32
        %add3A_376 = arith.addi %squeeze3A_374, %add3A_375 : i32
        %add3A_377 = vector.broadcast %add3A_376 : i32 to vector<16xi32>
        %add3A_378 = arith.addi %mul3A_3, %add3A_377 : vector<16xi32>
        %add3A_379 = arith.constant 336 : i32
        %add3A_380 = arith.addi %mul3A_76, %add3A_379 : i32
        %swap3A_381 = arith.index_cast %add3A_380 : i32 to index
        %swap3A_382 = tpu.vector_load %arg6[%swap3A_381] {strides = array<i32>} : memref<53248xi32, #tpu.memory_space<vmem>>, vector<16xi32>,
        tpu.vector_store %arg6[%swap3A_381], %add3A_378 {strides = array<i32>} : memref<53248xi32, #tpu.memory_space<vmem>>, vector<16xi32>,
        %add3A_383 = arith.constant 22 : i32
        %add3A_384 = arith.addi %mul3A_78, %add3A_383 : i32
        %get3A_385 = arith.index_cast %add3A_384 : i32 to index
        %get3A_386 = tpu.vector_load %arg5[%get3A_385] {strides = array<i32>} : memref<6400xi32, #tpu.memory_space<vmem>>, vector<16xi32>,
        %slice3A_387 = vector.extract_strided_slice %get3A_386 {offsets = [0], sizes = [1], strides = [1]} : vector<16xi32> to vector<1xi32>
        %squeeze3A_388 = vector.extract %slice3A_387[0] : i32 from vector<1xi32>
        %add3A_389 = arith.constant 35200000 : i32
        %add3A_390 = arith.addi %squeeze3A_388, %add3A_389 : i32
        %add3A_391 = vector.broadcast %add3A_390 : i32 to vector<16xi32>
        %add3A_392 = arith.addi %mul3A_3, %add3A_391 : vector<16xi32>
        %add3A_393 = arith.constant 352 : i32
        %add3A_394 = arith.addi %mul3A_76, %add3A_393 : i32
        %swap3A_395 = arith.index_cast %add3A_394 : i32 to index
        %swap3A_396 = tpu.vector_load %arg6[%swap3A_395] {strides = array<i32>} : memref<53248xi32, #tpu.memory_space<vmem>>, vector<16xi32>,
        tpu.vector_store %arg6[%swap3A_395], %add3A_392 {strides = array<i32>} : memref<53248xi32, #tpu.memory_space<vmem>>, vector<16xi32>,
        %add3A_397 = arith.constant 23 : i32
        %add3A_398 = arith.addi %mul3A_78, %add3A_397 : i32
        %get3A_399 = arith.index_cast %add3A_398 : i32 to index
        %get3A_400 = tpu.vector_load %arg5[%get3A_399] {strides = array<i32>} : memref<6400xi32, #tpu.memory_space<vmem>>, vector<16xi32>,
        %slice3A_401 = vector.extract_strided_slice %get3A_400 {offsets = [0], sizes = [1], strides = [1]} : vector<16xi32> to vector<1xi32>
        %squeeze3A_402 = vector.extract %slice3A_401[0] : i32 from vector<1xi32>
        %add3A_403 = arith.constant 36800000 : i32
        %add3A_404 = arith.addi %squeeze3A_402, %add3A_403 : i32
        %add3A_405 = vector.broadcast %add3A_404 : i32 to vector<16xi32>
        %add3A_406 = arith.addi %mul3A_3, %add3A_405 : vector<16xi32>
        %add3A_407 = arith.constant 368 : i32
        %add3A_408 = arith.addi %mul3A_76, %add3A_407 : i32
        %swap3A_409 = arith.index_cast %add3A_408 : i32 to index
        %swap3A_410 = tpu.vector_load %arg6[%swap3A_409] {strides = array<i32>} : memref<53248xi32, #tpu.memory_space<vmem>>, vector<16xi32>,
        tpu.vector_store %arg6[%swap3A_409], %add3A_406 {strides = array<i32>} : memref<53248xi32, #tpu.memory_space<vmem>>, vector<16xi32>,
        %add3A_411 = arith.constant 24 : i32
        %add3A_412 = arith.addi %mul3A_78, %add3A_411 : i32
        %get3A_413 = arith.index_cast %add3A_412 : i32 to index
        %get3A_414 = tpu.vector_load %arg5[%get3A_413] {strides = array<i32>} : memref<6400xi32, #tpu.memory_space<vmem>>, vector<16xi32>,
        %slice3A_415 = vector.extract_strided_slice %get3A_414 {offsets = [0], sizes = [1], strides = [1]} : vector<16xi32> to vector<1xi32>
        %squeeze3A_416 = vector.extract %slice3A_415[0] : i32 from vector<1xi32>
        %add3A_417 = arith.constant 38400000 : i32
        %add3A_418 = arith.addi %squeeze3A_416, %add3A_417 : i32
        %add3A_419 = vector.broadcast %add3A_418 : i32 to vector<16xi32>
        %add3A_420 = arith.addi %mul3A_3, %add3A_419 : vector<16xi32>
        %add3A_421 = arith.constant 384 : i32
        %add3A_422 = arith.addi %mul3A_76, %add3A_421 : i32
        %swap3A_423 = arith.index_cast %add3A_422 : i32 to index
        %swap3A_424 = tpu.vector_load %arg6[%swap3A_423] {strides = array<i32>} : memref<53248xi32, #tpu.memory_space<vmem>>, vector<16xi32>,
        tpu.vector_store %arg6[%swap3A_423], %add3A_420 {strides = array<i32>} : memref<53248xi32, #tpu.memory_space<vmem>>, vector<16xi32>,
        %add3A_425 = arith.constant 25 : i32
        %add3A_426 = arith.addi %mul3A_78, %add3A_425 : i32
        %get3A_427 = arith.index_cast %add3A_426 : i32 to index
        %get3A_428 = tpu.vector_load %arg5[%get3A_427] {strides = array<i32>} : memref<6400xi32, #tpu.memory_space<vmem>>, vector<16xi32>,
        %slice3A_429 = vector.extract_strided_slice %get3A_428 {offsets = [0], sizes = [1], strides = [1]} : vector<16xi32> to vector<1xi32>
        %squeeze3A_430 = vector.extract %slice3A_429[0] : i32 from vector<1xi32>
        %add3A_431 = arith.constant 40000000 : i32
        %add3A_432 = arith.addi %squeeze3A_430, %add3A_431 : i32
        %add3A_433 = vector.broadcast %add3A_432 : i32 to vector<16xi32>
        %add3A_434 = arith.addi %mul3A_3, %add3A_433 : vector<16xi32>
        %add3A_435 = arith.constant 400 : i32
        %add3A_436 = arith.addi %mul3A_76, %add3A_435 : i32
        %swap3A_437 = arith.index_cast %add3A_436 : i32 to index
        %swap3A_438 = tpu.vector_load %arg6[%swap3A_437] {strides = array<i32>} : memref<53248xi32, #tpu.memory_space<vmem>>, vector<16xi32>,
        tpu.vector_store %arg6[%swap3A_437], %add3A_434 {strides = array<i32>} : memref<53248xi32, #tpu.memory_space<vmem>>, vector<16xi32>,
        %scan3A_439 = arith.constant 0 : i32
        scf.yield %scan3A_439 : i32
      }
      %scan3A_29 = arith.constant 64 : i32
      %scan3A_30 = arith.constant 0 : i32
      %scan3A_31 = arith.constant 0 : i32
      %scan3A_32 = arith.constant 296 : i32
      %scan3A_33 = arith.addi %scan3A_31, %scan3A_32 : i32
      %scan3A_34 = arith.constant 1 : i32
      %scan3A_35 = scf.for %scan3A_71 = %scan3A_31 to %scan3A_33 step %scan3A_34 iter_args(%scan3A_72 = %scan3A_30) -> (i32)  : i32 {
        %mul3A_73 = arith.constant 16 : i32
        %mul3A_74 = arith.muli %scan3A_71, %mul3A_73 : i32
        %add3A_75 = vector.broadcast %mul3A_74 : i32 to vector<16xi32>
        %add3A_76 = arith.addi %add3A_75, %iota3A : vector<16xi32>
        %jit3A = arith.constant 74 : i32
        %div3A = vector.broadcast %jit3A : i32 to vector<16xi32>
        %div3A_77 = arith.divsi %add3A_76, %div3A : vector<16xi32>
        %sign3A = arith.constant 0 : i32
        %sign3A_78 = vector.broadcast %sign3A : i32 to vector<16xi32>
        %sign3A_79 = arith.cmpi sgt, %add3A_76, %sign3A_78 : vector<16xi32>
        %sign3A_80 = arith.extui %sign3A_79 : vector<16xi1> to vector<16xi32>
        %sign3A_81 = arith.constant 0 : i32
        %sign3A_82 = vector.broadcast %sign3A_81 : i32 to vector<16xi32>
        %sign3A_83 = arith.cmpi slt, %add3A_76, %sign3A_82 : vector<16xi32>
        %sign3A_84 = arith.extui %sign3A_83 : vector<16xi1> to vector<16xi32>
        %sign3A_85 = arith.subi %sign3A_80, %sign3A_84 : vector<16xi32>
        %sign3A_86 = arith.constant 0 : i32
        %sign3A_87 = arith.cmpi sgt, %jit3A, %sign3A_86 : i32
        %sign3A_88 = arith.extui %sign3A_87 : i1 to i32
        %sign3A_89 = arith.constant 0 : i32
        %sign3A_90 = arith.cmpi slt, %jit3A, %sign3A_89 : i32
        %sign3A_91 = arith.extui %sign3A_90 : i1 to i32
        %sign3A_92 = arith.subi %sign3A_88, %sign3A_91 : i32
        %ne3A = vector.broadcast %sign3A_92 : i32 to vector<16xi32>
        %ne3A_93 = arith.cmpi ne, %sign3A_85, %ne3A : vector<16xi32>
        %rem3A = vector.broadcast %jit3A : i32 to vector<16xi32>
        %rem3A_94 = arith.remsi %add3A_76, %rem3A : vector<16xi32>
        %ne3A_95 = arith.constant 0 : i32
        %ne3A_96 = vector.broadcast %ne3A_95 : i32 to vector<16xi32>
        %ne3A_97 = arith.cmpi ne, %rem3A_94, %ne3A_96 : vector<16xi32>
        %and3A = arith.andi %ne3A_93, %ne3A_97 : vector<16xi1>
        %sub3A = arith.constant 1 : i32
        %sub3A_98 = vector.broadcast %sub3A : i32 to vector<16xi32>
        %sub3A_99 = arith.subi %div3A_77, %sub3A_98 : vector<16xi32>
        %select_n3A = arith.select %and3A, %sub3A_99, %div3A_77 : vector<16xi1>, vector<16xi32>
        %mul3A_100 = arith.constant 74 : i32
        %mul3A_101 = vector.broadcast %mul3A_100 : i32 to vector<16xi32>
        %mul3A_102 = arith.muli %mul3A_101, %select_n3A : vector<16xi32>
        %sub3A_103 = arith.subi %add3A_76, %mul3A_102 : vector<16xi32>
        %add3A_104 = arith.constant 26 : i32
        %add3A_105 = vector.broadcast %add3A_104 : i32 to vector<16xi32>
        %add3A_106 = arith.addi %add3A_105, %add3A_76 : vector<16xi32>
        %mul3A_107 = arith.constant 26 : i32
        %mul3A_108 = vector.broadcast %mul3A_107 : i32 to vector<16xi32>
        %mul3A_109 = arith.muli %mul3A_108, %select_n3A : vector<16xi32>
        %add3A_110 = arith.addi %add3A_106, %mul3A_109 : vector<16xi32>
        %gather3A = tpu.vector_load_idx %arg5[%add3A_110] : memref<6400xi32, #tpu.memory_space<vmem>>[vector<16xi32>], vector<16xi32>,
        %convert_element_type3A = arith.sitofp %gather3A : vector<16xi32> to vector<16xf32>
        %add3A_111 = arith.constant 0 : i32
        %add3A_112 = vector.broadcast %add3A_111 : i32 to vector<16xi32>
        %add3A_113 = arith.addi %add3A_112, %select_n3A : vector<16xi32>
        %add3A_114 = arith.constant 416 : i32
        %add3A_115 = vector.broadcast %add3A_114 : i32 to vector<16xi32>
        %add3A_116 = arith.addi %add3A_115, %sub3A_103 : vector<16xi32>
        tpu.vector_store_idx %arg7[%add3A_113, %add3A_116], %convert_element_type3A : memref<128x490xf32, #tpu.memory_space<vmem>>[vector<16xi32>, vector<16xi32>], vector<16xf32>,
        %scan3A_117 = arith.constant 0 : i32
        scf.yield %scan3A_117 : i32
      }
      %scan3A_36 = arith.constant 296 : i32
      %add3A_37 = arith.constant 64 : i32
      %add3A_38 = arith.addi %add3A_16, %add3A_37 : i32
      %mul3A_39 = arith.constant 100 : i32
      %mul3A_40 = arith.muli %add3A_38, %mul3A_39 : i32
      %dma_start3A_41 = tpu.memref_slice %arg2[%mul3A_40] : memref<1638400xi32, #tpu.memory_space<hbm>> -> memref<6400xi32, #tpu.memory_space<hbm>>
      %dma_start3A_42 = tpu.memref_slice %arg2[%mul3A_40] : memref<1638400xi32, #tpu.memory_space<hbm>> -> memref<6400xi32, #tpu.memory_space<hbm>>
      tpu.enqueue_dma source(%dma_start3A_42 : memref<6400xi32, #tpu.memory_space<hbm>>) target(%arg5 : memref<6400xi32, #tpu.memory_space<vmem>>) target_semaphore(%arg8 : memref<!tpu.dma_semaphore, #tpu.memory_space<semaphore_mem>>)
      %dma_wait3A_43 = tpu.memref_slice %arg2[%mul3A_40] : memref<1638400xi32, #tpu.memory_space<hbm>> -> memref<6400xi32, #tpu.memory_space<hbm>>
      %dma_wait3A_44 = tpu.memref_slice %arg2[%mul3A_40] : memref<1638400xi32, #tpu.memory_space<hbm>> -> memref<6400xi32, #tpu.memory_space<hbm>>
      tpu.wait_dma2 semaphore(%arg8 : memref<!tpu.dma_semaphore, #tpu.memory_space<semaphore_mem>>) src(%dma_wait3A_44 : memref<6400xi32, #tpu.memory_space<hbm>>) dst(%arg5 : memref<6400xi32, #tpu.memory_space<vmem>>)
      %scan3A_45 = arith.constant 0 : i32
      %scan3A_46 = arith.constant 0 : i32
      %scan3A_47 = arith.constant 64 : i32
      %scan3A_48 = arith.addi %scan3A_46, %scan3A_47 : i32
      %scan3A_49 = arith.constant 1 : i32
      %scan3A_50 = scf.for %scan3A_71 = %scan3A_46 to %scan3A_48 step %scan3A_49 iter_args(%scan3A_72 = %scan3A_45) -> (i32)  : i32 {
        %add3A_73 = arith.constant 64 : i32
        %add3A_74 = arith.addi %add3A_73, %scan3A_71 : i32
        %mul3A_75 = arith.constant 416 : i32
        %mul3A_76 = arith.muli %add3A_74, %mul3A_75 : i32
        %mul3A_77 = arith.constant 100 : i32
        %mul3A_78 = arith.muli %scan3A_71, %mul3A_77 : i32
        %add3A_79 = arith.constant 0 : i32
        %add3A_80 = arith.addi %mul3A_78, %add3A_79 : i32
        %get3A = arith.index_cast %add3A_80 : i32 to index
        %get3A_81 = tpu.vector_load %arg5[%get3A] {strides = array<i32>} : memref<6400xi32, #tpu.memory_space<vmem>>, vector<16xi32>,
        %slice3A = vector.extract_strided_slice %get3A_81 {offsets = [0], sizes = [1], strides = [1]} : vector<16xi32> to vector<1xi32>
        %squeeze3A = vector.extract %slice3A[0] : i32 from vector<1xi32>
        %add3A_82 = arith.constant 0 : i32
        %add3A_83 = arith.addi %squeeze3A, %add3A_82 : i32
        %add3A_84 = vector.broadcast %add3A_83 : i32 to vector<16xi32>
        %add3A_85 = arith.addi %mul3A_3, %add3A_84 : vector<16xi32>
        %add3A_86 = arith.constant 0 : i32
        %add3A_87 = arith.addi %mul3A_76, %add3A_86 : i32
        %swap3A = arith.index_cast %add3A_87 : i32 to index
        %swap3A_88 = tpu.vector_load %arg6[%swap3A] {strides = array<i32>} : memref<53248xi32, #tpu.memory_space<vmem>>, vector<16xi32>,
        tpu.vector_store %arg6[%swap3A], %add3A_85 {strides = array<i32>} : memref<53248xi32, #tpu.memory_space<vmem>>, vector<16xi32>,
        %add3A_89 = arith.constant 1 : i32
        %add3A_90 = arith.addi %mul3A_78, %add3A_89 : i32
        %get3A_91 = arith.index_cast %add3A_90 : i32 to index
        %get3A_92 = tpu.vector_load %arg5[%get3A_91] {strides = array<i32>} : memref<6400xi32, #tpu.memory_space<vmem>>, vector<16xi32>,
        %slice3A_93 = vector.extract_strided_slice %get3A_92 {offsets = [0], sizes = [1], strides = [1]} : vector<16xi32> to vector<1xi32>
        %squeeze3A_94 = vector.extract %slice3A_93[0] : i32 from vector<1xi32>
        %add3A_95 = arith.constant 1600000 : i32
        %add3A_96 = arith.addi %squeeze3A_94, %add3A_95 : i32
        %add3A_97 = vector.broadcast %add3A_96 : i32 to vector<16xi32>
        %add3A_98 = arith.addi %mul3A_3, %add3A_97 : vector<16xi32>
        %add3A_99 = arith.constant 16 : i32
        %add3A_100 = arith.addi %mul3A_76, %add3A_99 : i32
        %swap3A_101 = arith.index_cast %add3A_100 : i32 to index
        %swap3A_102 = tpu.vector_load %arg6[%swap3A_101] {strides = array<i32>} : memref<53248xi32, #tpu.memory_space<vmem>>, vector<16xi32>,
        tpu.vector_store %arg6[%swap3A_101], %add3A_98 {strides = array<i32>} : memref<53248xi32, #tpu.memory_space<vmem>>, vector<16xi32>,
        %add3A_103 = arith.constant 2 : i32
        %add3A_104 = arith.addi %mul3A_78, %add3A_103 : i32
        %get3A_105 = arith.index_cast %add3A_104 : i32 to index
        %get3A_106 = tpu.vector_load %arg5[%get3A_105] {strides = array<i32>} : memref<6400xi32, #tpu.memory_space<vmem>>, vector<16xi32>,
        %slice3A_107 = vector.extract_strided_slice %get3A_106 {offsets = [0], sizes = [1], strides = [1]} : vector<16xi32> to vector<1xi32>
        %squeeze3A_108 = vector.extract %slice3A_107[0] : i32 from vector<1xi32>
        %add3A_109 = arith.constant 3200000 : i32
        %add3A_110 = arith.addi %squeeze3A_108, %add3A_109 : i32
        %add3A_111 = vector.broadcast %add3A_110 : i32 to vector<16xi32>
        %add3A_112 = arith.addi %mul3A_3, %add3A_111 : vector<16xi32>
        %add3A_113 = arith.constant 32 : i32
        %add3A_114 = arith.addi %mul3A_76, %add3A_113 : i32
        %swap3A_115 = arith.index_cast %add3A_114 : i32 to index
        %swap3A_116 = tpu.vector_load %arg6[%swap3A_115] {strides = array<i32>} : memref<53248xi32, #tpu.memory_space<vmem>>, vector<16xi32>,
        tpu.vector_store %arg6[%swap3A_115], %add3A_112 {strides = array<i32>} : memref<53248xi32, #tpu.memory_space<vmem>>, vector<16xi32>,
        %add3A_117 = arith.constant 3 : i32
        %add3A_118 = arith.addi %mul3A_78, %add3A_117 : i32
        %get3A_119 = arith.index_cast %add3A_118 : i32 to index
        %get3A_120 = tpu.vector_load %arg5[%get3A_119] {strides = array<i32>} : memref<6400xi32, #tpu.memory_space<vmem>>, vector<16xi32>,
        %slice3A_121 = vector.extract_strided_slice %get3A_120 {offsets = [0], sizes = [1], strides = [1]} : vector<16xi32> to vector<1xi32>
        %squeeze3A_122 = vector.extract %slice3A_121[0] : i32 from vector<1xi32>
        %add3A_123 = arith.constant 4800000 : i32
        %add3A_124 = arith.addi %squeeze3A_122, %add3A_123 : i32
        %add3A_125 = vector.broadcast %add3A_124 : i32 to vector<16xi32>
        %add3A_126 = arith.addi %mul3A_3, %add3A_125 : vector<16xi32>
        %add3A_127 = arith.constant 48 : i32
        %add3A_128 = arith.addi %mul3A_76, %add3A_127 : i32
        %swap3A_129 = arith.index_cast %add3A_128 : i32 to index
        %swap3A_130 = tpu.vector_load %arg6[%swap3A_129] {strides = array<i32>} : memref<53248xi32, #tpu.memory_space<vmem>>, vector<16xi32>,
        tpu.vector_store %arg6[%swap3A_129], %add3A_126 {strides = array<i32>} : memref<53248xi32, #tpu.memory_space<vmem>>, vector<16xi32>,
        %add3A_131 = arith.constant 4 : i32
        %add3A_132 = arith.addi %mul3A_78, %add3A_131 : i32
        %get3A_133 = arith.index_cast %add3A_132 : i32 to index
        %get3A_134 = tpu.vector_load %arg5[%get3A_133] {strides = array<i32>} : memref<6400xi32, #tpu.memory_space<vmem>>, vector<16xi32>,
        %slice3A_135 = vector.extract_strided_slice %get3A_134 {offsets = [0], sizes = [1], strides = [1]} : vector<16xi32> to vector<1xi32>
        %squeeze3A_136 = vector.extract %slice3A_135[0] : i32 from vector<1xi32>
        %add3A_137 = arith.constant 6400000 : i32
        %add3A_138 = arith.addi %squeeze3A_136, %add3A_137 : i32
        %add3A_139 = vector.broadcast %add3A_138 : i32 to vector<16xi32>
        %add3A_140 = arith.addi %mul3A_3, %add3A_139 : vector<16xi32>
        %add3A_141 = arith.constant 64 : i32
        %add3A_142 = arith.addi %mul3A_76, %add3A_141 : i32
        %swap3A_143 = arith.index_cast %add3A_142 : i32 to index
        %swap3A_144 = tpu.vector_load %arg6[%swap3A_143] {strides = array<i32>} : memref<53248xi32, #tpu.memory_space<vmem>>, vector<16xi32>,
        tpu.vector_store %arg6[%swap3A_143], %add3A_140 {strides = array<i32>} : memref<53248xi32, #tpu.memory_space<vmem>>, vector<16xi32>,
        %add3A_145 = arith.constant 5 : i32
        %add3A_146 = arith.addi %mul3A_78, %add3A_145 : i32
        %get3A_147 = arith.index_cast %add3A_146 : i32 to index
        %get3A_148 = tpu.vector_load %arg5[%get3A_147] {strides = array<i32>} : memref<6400xi32, #tpu.memory_space<vmem>>, vector<16xi32>,
        %slice3A_149 = vector.extract_strided_slice %get3A_148 {offsets = [0], sizes = [1], strides = [1]} : vector<16xi32> to vector<1xi32>
        %squeeze3A_150 = vector.extract %slice3A_149[0] : i32 from vector<1xi32>
        %add3A_151 = arith.constant 8000000 : i32
        %add3A_152 = arith.addi %squeeze3A_150, %add3A_151 : i32
        %add3A_153 = vector.broadcast %add3A_152 : i32 to vector<16xi32>
        %add3A_154 = arith.addi %mul3A_3, %add3A_153 : vector<16xi32>
        %add3A_155 = arith.constant 80 : i32
        %add3A_156 = arith.addi %mul3A_76, %add3A_155 : i32
        %swap3A_157 = arith.index_cast %add3A_156 : i32 to index
        %swap3A_158 = tpu.vector_load %arg6[%swap3A_157] {strides = array<i32>} : memref<53248xi32, #tpu.memory_space<vmem>>, vector<16xi32>,
        tpu.vector_store %arg6[%swap3A_157], %add3A_154 {strides = array<i32>} : memref<53248xi32, #tpu.memory_space<vmem>>, vector<16xi32>,
        %add3A_159 = arith.constant 6 : i32
        %add3A_160 = arith.addi %mul3A_78, %add3A_159 : i32
        %get3A_161 = arith.index_cast %add3A_160 : i32 to index
        %get3A_162 = tpu.vector_load %arg5[%get3A_161] {strides = array<i32>} : memref<6400xi32, #tpu.memory_space<vmem>>, vector<16xi32>,
        %slice3A_163 = vector.extract_strided_slice %get3A_162 {offsets = [0], sizes = [1], strides = [1]} : vector<16xi32> to vector<1xi32>
        %squeeze3A_164 = vector.extract %slice3A_163[0] : i32 from vector<1xi32>
        %add3A_165 = arith.constant 9600000 : i32
        %add3A_166 = arith.addi %squeeze3A_164, %add3A_165 : i32
        %add3A_167 = vector.broadcast %add3A_166 : i32 to vector<16xi32>
        %add3A_168 = arith.addi %mul3A_3, %add3A_167 : vector<16xi32>
        %add3A_169 = arith.constant 96 : i32
        %add3A_170 = arith.addi %mul3A_76, %add3A_169 : i32
        %swap3A_171 = arith.index_cast %add3A_170 : i32 to index
        %swap3A_172 = tpu.vector_load %arg6[%swap3A_171] {strides = array<i32>} : memref<53248xi32, #tpu.memory_space<vmem>>, vector<16xi32>,
        tpu.vector_store %arg6[%swap3A_171], %add3A_168 {strides = array<i32>} : memref<53248xi32, #tpu.memory_space<vmem>>, vector<16xi32>,
        %add3A_173 = arith.constant 7 : i32
        %add3A_174 = arith.addi %mul3A_78, %add3A_173 : i32
        %get3A_175 = arith.index_cast %add3A_174 : i32 to index
        %get3A_176 = tpu.vector_load %arg5[%get3A_175] {strides = array<i32>} : memref<6400xi32, #tpu.memory_space<vmem>>, vector<16xi32>,
        %slice3A_177 = vector.extract_strided_slice %get3A_176 {offsets = [0], sizes = [1], strides = [1]} : vector<16xi32> to vector<1xi32>
        %squeeze3A_178 = vector.extract %slice3A_177[0] : i32 from vector<1xi32>
        %add3A_179 = arith.constant 11200000 : i32
        %add3A_180 = arith.addi %squeeze3A_178, %add3A_179 : i32
        %add3A_181 = vector.broadcast %add3A_180 : i32 to vector<16xi32>
        %add3A_182 = arith.addi %mul3A_3, %add3A_181 : vector<16xi32>
        %add3A_183 = arith.constant 112 : i32
        %add3A_184 = arith.addi %mul3A_76, %add3A_183 : i32
        %swap3A_185 = arith.index_cast %add3A_184 : i32 to index
        %swap3A_186 = tpu.vector_load %arg6[%swap3A_185] {strides = array<i32>} : memref<53248xi32, #tpu.memory_space<vmem>>, vector<16xi32>,
        tpu.vector_store %arg6[%swap3A_185], %add3A_182 {strides = array<i32>} : memref<53248xi32, #tpu.memory_space<vmem>>, vector<16xi32>,
        %add3A_187 = arith.constant 8 : i32
        %add3A_188 = arith.addi %mul3A_78, %add3A_187 : i32
        %get3A_189 = arith.index_cast %add3A_188 : i32 to index
        %get3A_190 = tpu.vector_load %arg5[%get3A_189] {strides = array<i32>} : memref<6400xi32, #tpu.memory_space<vmem>>, vector<16xi32>,
        %slice3A_191 = vector.extract_strided_slice %get3A_190 {offsets = [0], sizes = [1], strides = [1]} : vector<16xi32> to vector<1xi32>
        %squeeze3A_192 = vector.extract %slice3A_191[0] : i32 from vector<1xi32>
        %add3A_193 = arith.constant 12800000 : i32
        %add3A_194 = arith.addi %squeeze3A_192, %add3A_193 : i32
        %add3A_195 = vector.broadcast %add3A_194 : i32 to vector<16xi32>
        %add3A_196 = arith.addi %mul3A_3, %add3A_195 : vector<16xi32>
        %add3A_197 = arith.constant 128 : i32
        %add3A_198 = arith.addi %mul3A_76, %add3A_197 : i32
        %swap3A_199 = arith.index_cast %add3A_198 : i32 to index
        %swap3A_200 = tpu.vector_load %arg6[%swap3A_199] {strides = array<i32>} : memref<53248xi32, #tpu.memory_space<vmem>>, vector<16xi32>,
        tpu.vector_store %arg6[%swap3A_199], %add3A_196 {strides = array<i32>} : memref<53248xi32, #tpu.memory_space<vmem>>, vector<16xi32>,
        %add3A_201 = arith.constant 9 : i32
        %add3A_202 = arith.addi %mul3A_78, %add3A_201 : i32
        %get3A_203 = arith.index_cast %add3A_202 : i32 to index
        %get3A_204 = tpu.vector_load %arg5[%get3A_203] {strides = array<i32>} : memref<6400xi32, #tpu.memory_space<vmem>>, vector<16xi32>,
        %slice3A_205 = vector.extract_strided_slice %get3A_204 {offsets = [0], sizes = [1], strides = [1]} : vector<16xi32> to vector<1xi32>
        %squeeze3A_206 = vector.extract %slice3A_205[0] : i32 from vector<1xi32>
        %add3A_207 = arith.constant 14400000 : i32
        %add3A_208 = arith.addi %squeeze3A_206, %add3A_207 : i32
        %add3A_209 = vector.broadcast %add3A_208 : i32 to vector<16xi32>
        %add3A_210 = arith.addi %mul3A_3, %add3A_209 : vector<16xi32>
        %add3A_211 = arith.constant 144 : i32
        %add3A_212 = arith.addi %mul3A_76, %add3A_211 : i32
        %swap3A_213 = arith.index_cast %add3A_212 : i32 to index
        %swap3A_214 = tpu.vector_load %arg6[%swap3A_213] {strides = array<i32>} : memref<53248xi32, #tpu.memory_space<vmem>>, vector<16xi32>,
        tpu.vector_store %arg6[%swap3A_213], %add3A_210 {strides = array<i32>} : memref<53248xi32, #tpu.memory_space<vmem>>, vector<16xi32>,
        %add3A_215 = arith.constant 10 : i32
        %add3A_216 = arith.addi %mul3A_78, %add3A_215 : i32
        %get3A_217 = arith.index_cast %add3A_216 : i32 to index
        %get3A_218 = tpu.vector_load %arg5[%get3A_217] {strides = array<i32>} : memref<6400xi32, #tpu.memory_space<vmem>>, vector<16xi32>,
        %slice3A_219 = vector.extract_strided_slice %get3A_218 {offsets = [0], sizes = [1], strides = [1]} : vector<16xi32> to vector<1xi32>
        %squeeze3A_220 = vector.extract %slice3A_219[0] : i32 from vector<1xi32>
        %add3A_221 = arith.constant 16000000 : i32
        %add3A_222 = arith.addi %squeeze3A_220, %add3A_221 : i32
        %add3A_223 = vector.broadcast %add3A_222 : i32 to vector<16xi32>
        %add3A_224 = arith.addi %mul3A_3, %add3A_223 : vector<16xi32>
        %add3A_225 = arith.constant 160 : i32
        %add3A_226 = arith.addi %mul3A_76, %add3A_225 : i32
        %swap3A_227 = arith.index_cast %add3A_226 : i32 to index
        %swap3A_228 = tpu.vector_load %arg6[%swap3A_227] {strides = array<i32>} : memref<53248xi32, #tpu.memory_space<vmem>>, vector<16xi32>,
        tpu.vector_store %arg6[%swap3A_227], %add3A_224 {strides = array<i32>} : memref<53248xi32, #tpu.memory_space<vmem>>, vector<16xi32>,
        %add3A_229 = arith.constant 11 : i32
        %add3A_230 = arith.addi %mul3A_78, %add3A_229 : i32
        %get3A_231 = arith.index_cast %add3A_230 : i32 to index
        %get3A_232 = tpu.vector_load %arg5[%get3A_231] {strides = array<i32>} : memref<6400xi32, #tpu.memory_space<vmem>>, vector<16xi32>,
        %slice3A_233 = vector.extract_strided_slice %get3A_232 {offsets = [0], sizes = [1], strides = [1]} : vector<16xi32> to vector<1xi32>
        %squeeze3A_234 = vector.extract %slice3A_233[0] : i32 from vector<1xi32>
        %add3A_235 = arith.constant 17600000 : i32
        %add3A_236 = arith.addi %squeeze3A_234, %add3A_235 : i32
        %add3A_237 = vector.broadcast %add3A_236 : i32 to vector<16xi32>
        %add3A_238 = arith.addi %mul3A_3, %add3A_237 : vector<16xi32>
        %add3A_239 = arith.constant 176 : i32
        %add3A_240 = arith.addi %mul3A_76, %add3A_239 : i32
        %swap3A_241 = arith.index_cast %add3A_240 : i32 to index
        %swap3A_242 = tpu.vector_load %arg6[%swap3A_241] {strides = array<i32>} : memref<53248xi32, #tpu.memory_space<vmem>>, vector<16xi32>,
        tpu.vector_store %arg6[%swap3A_241], %add3A_238 {strides = array<i32>} : memref<53248xi32, #tpu.memory_space<vmem>>, vector<16xi32>,
        %add3A_243 = arith.constant 12 : i32
        %add3A_244 = arith.addi %mul3A_78, %add3A_243 : i32
        %get3A_245 = arith.index_cast %add3A_244 : i32 to index
        %get3A_246 = tpu.vector_load %arg5[%get3A_245] {strides = array<i32>} : memref<6400xi32, #tpu.memory_space<vmem>>, vector<16xi32>,
        %slice3A_247 = vector.extract_strided_slice %get3A_246 {offsets = [0], sizes = [1], strides = [1]} : vector<16xi32> to vector<1xi32>
        %squeeze3A_248 = vector.extract %slice3A_247[0] : i32 from vector<1xi32>
        %add3A_249 = arith.constant 19200000 : i32
        %add3A_250 = arith.addi %squeeze3A_248, %add3A_249 : i32
        %add3A_251 = vector.broadcast %add3A_250 : i32 to vector<16xi32>
        %add3A_252 = arith.addi %mul3A_3, %add3A_251 : vector<16xi32>
        %add3A_253 = arith.constant 192 : i32
        %add3A_254 = arith.addi %mul3A_76, %add3A_253 : i32
        %swap3A_255 = arith.index_cast %add3A_254 : i32 to index
        %swap3A_256 = tpu.vector_load %arg6[%swap3A_255] {strides = array<i32>} : memref<53248xi32, #tpu.memory_space<vmem>>, vector<16xi32>,
        tpu.vector_store %arg6[%swap3A_255], %add3A_252 {strides = array<i32>} : memref<53248xi32, #tpu.memory_space<vmem>>, vector<16xi32>,
        %add3A_257 = arith.constant 13 : i32
        %add3A_258 = arith.addi %mul3A_78, %add3A_257 : i32
        %get3A_259 = arith.index_cast %add3A_258 : i32 to index
        %get3A_260 = tpu.vector_load %arg5[%get3A_259] {strides = array<i32>} : memref<6400xi32, #tpu.memory_space<vmem>>, vector<16xi32>,
        %slice3A_261 = vector.extract_strided_slice %get3A_260 {offsets = [0], sizes = [1], strides = [1]} : vector<16xi32> to vector<1xi32>
        %squeeze3A_262 = vector.extract %slice3A_261[0] : i32 from vector<1xi32>
        %add3A_263 = arith.constant 20800000 : i32
        %add3A_264 = arith.addi %squeeze3A_262, %add3A_263 : i32
        %add3A_265 = vector.broadcast %add3A_264 : i32 to vector<16xi32>
        %add3A_266 = arith.addi %mul3A_3, %add3A_265 : vector<16xi32>
        %add3A_267 = arith.constant 208 : i32
        %add3A_268 = arith.addi %mul3A_76, %add3A_267 : i32
        %swap3A_269 = arith.index_cast %add3A_268 : i32 to index
        %swap3A_270 = tpu.vector_load %arg6[%swap3A_269] {strides = array<i32>} : memref<53248xi32, #tpu.memory_space<vmem>>, vector<16xi32>,
        tpu.vector_store %arg6[%swap3A_269], %add3A_266 {strides = array<i32>} : memref<53248xi32, #tpu.memory_space<vmem>>, vector<16xi32>,
        %add3A_271 = arith.constant 14 : i32
        %add3A_272 = arith.addi %mul3A_78, %add3A_271 : i32
        %get3A_273 = arith.index_cast %add3A_272 : i32 to index
        %get3A_274 = tpu.vector_load %arg5[%get3A_273] {strides = array<i32>} : memref<6400xi32, #tpu.memory_space<vmem>>, vector<16xi32>,
        %slice3A_275 = vector.extract_strided_slice %get3A_274 {offsets = [0], sizes = [1], strides = [1]} : vector<16xi32> to vector<1xi32>
        %squeeze3A_276 = vector.extract %slice3A_275[0] : i32 from vector<1xi32>
        %add3A_277 = arith.constant 22400000 : i32
        %add3A_278 = arith.addi %squeeze3A_276, %add3A_277 : i32
        %add3A_279 = vector.broadcast %add3A_278 : i32 to vector<16xi32>
        %add3A_280 = arith.addi %mul3A_3, %add3A_279 : vector<16xi32>
        %add3A_281 = arith.constant 224 : i32
        %add3A_282 = arith.addi %mul3A_76, %add3A_281 : i32
        %swap3A_283 = arith.index_cast %add3A_282 : i32 to index
        %swap3A_284 = tpu.vector_load %arg6[%swap3A_283] {strides = array<i32>} : memref<53248xi32, #tpu.memory_space<vmem>>, vector<16xi32>,
        tpu.vector_store %arg6[%swap3A_283], %add3A_280 {strides = array<i32>} : memref<53248xi32, #tpu.memory_space<vmem>>, vector<16xi32>,
        %add3A_285 = arith.constant 15 : i32
        %add3A_286 = arith.addi %mul3A_78, %add3A_285 : i32
        %get3A_287 = arith.index_cast %add3A_286 : i32 to index
        %get3A_288 = tpu.vector_load %arg5[%get3A_287] {strides = array<i32>} : memref<6400xi32, #tpu.memory_space<vmem>>, vector<16xi32>,
        %slice3A_289 = vector.extract_strided_slice %get3A_288 {offsets = [0], sizes = [1], strides = [1]} : vector<16xi32> to vector<1xi32>
        %squeeze3A_290 = vector.extract %slice3A_289[0] : i32 from vector<1xi32>
        %add3A_291 = arith.constant 24000000 : i32
        %add3A_292 = arith.addi %squeeze3A_290, %add3A_291 : i32
        %add3A_293 = vector.broadcast %add3A_292 : i32 to vector<16xi32>
        %add3A_294 = arith.addi %mul3A_3, %add3A_293 : vector<16xi32>
        %add3A_295 = arith.constant 240 : i32
        %add3A_296 = arith.addi %mul3A_76, %add3A_295 : i32
        %swap3A_297 = arith.index_cast %add3A_296 : i32 to index
        %swap3A_298 = tpu.vector_load %arg6[%swap3A_297] {strides = array<i32>} : memref<53248xi32, #tpu.memory_space<vmem>>, vector<16xi32>,
        tpu.vector_store %arg6[%swap3A_297], %add3A_294 {strides = array<i32>} : memref<53248xi32, #tpu.memory_space<vmem>>, vector<16xi32>,
        %add3A_299 = arith.constant 16 : i32
        %add3A_300 = arith.addi %mul3A_78, %add3A_299 : i32
        %get3A_301 = arith.index_cast %add3A_300 : i32 to index
        %get3A_302 = tpu.vector_load %arg5[%get3A_301] {strides = array<i32>} : memref<6400xi32, #tpu.memory_space<vmem>>, vector<16xi32>,
        %slice3A_303 = vector.extract_strided_slice %get3A_302 {offsets = [0], sizes = [1], strides = [1]} : vector<16xi32> to vector<1xi32>
        %squeeze3A_304 = vector.extract %slice3A_303[0] : i32 from vector<1xi32>
        %add3A_305 = arith.constant 25600000 : i32
        %add3A_306 = arith.addi %squeeze3A_304, %add3A_305 : i32
        %add3A_307 = vector.broadcast %add3A_306 : i32 to vector<16xi32>
        %add3A_308 = arith.addi %mul3A_3, %add3A_307 : vector<16xi32>
        %add3A_309 = arith.constant 256 : i32
        %add3A_310 = arith.addi %mul3A_76, %add3A_309 : i32
        %swap3A_311 = arith.index_cast %add3A_310 : i32 to index
        %swap3A_312 = tpu.vector_load %arg6[%swap3A_311] {strides = array<i32>} : memref<53248xi32, #tpu.memory_space<vmem>>, vector<16xi32>,
        tpu.vector_store %arg6[%swap3A_311], %add3A_308 {strides = array<i32>} : memref<53248xi32, #tpu.memory_space<vmem>>, vector<16xi32>,
        %add3A_313 = arith.constant 17 : i32
        %add3A_314 = arith.addi %mul3A_78, %add3A_313 : i32
        %get3A_315 = arith.index_cast %add3A_314 : i32 to index
        %get3A_316 = tpu.vector_load %arg5[%get3A_315] {strides = array<i32>} : memref<6400xi32, #tpu.memory_space<vmem>>, vector<16xi32>,
        %slice3A_317 = vector.extract_strided_slice %get3A_316 {offsets = [0], sizes = [1], strides = [1]} : vector<16xi32> to vector<1xi32>
        %squeeze3A_318 = vector.extract %slice3A_317[0] : i32 from vector<1xi32>
        %add3A_319 = arith.constant 27200000 : i32
        %add3A_320 = arith.addi %squeeze3A_318, %add3A_319 : i32
        %add3A_321 = vector.broadcast %add3A_320 : i32 to vector<16xi32>
        %add3A_322 = arith.addi %mul3A_3, %add3A_321 : vector<16xi32>
        %add3A_323 = arith.constant 272 : i32
        %add3A_324 = arith.addi %mul3A_76, %add3A_323 : i32
        %swap3A_325 = arith.index_cast %add3A_324 : i32 to index
        %swap3A_326 = tpu.vector_load %arg6[%swap3A_325] {strides = array<i32>} : memref<53248xi32, #tpu.memory_space<vmem>>, vector<16xi32>,
        tpu.vector_store %arg6[%swap3A_325], %add3A_322 {strides = array<i32>} : memref<53248xi32, #tpu.memory_space<vmem>>, vector<16xi32>,
        %add3A_327 = arith.constant 18 : i32
        %add3A_328 = arith.addi %mul3A_78, %add3A_327 : i32
        %get3A_329 = arith.index_cast %add3A_328 : i32 to index
        %get3A_330 = tpu.vector_load %arg5[%get3A_329] {strides = array<i32>} : memref<6400xi32, #tpu.memory_space<vmem>>, vector<16xi32>,
        %slice3A_331 = vector.extract_strided_slice %get3A_330 {offsets = [0], sizes = [1], strides = [1]} : vector<16xi32> to vector<1xi32>
        %squeeze3A_332 = vector.extract %slice3A_331[0] : i32 from vector<1xi32>
        %add3A_333 = arith.constant 28800000 : i32
        %add3A_334 = arith.addi %squeeze3A_332, %add3A_333 : i32
        %add3A_335 = vector.broadcast %add3A_334 : i32 to vector<16xi32>
        %add3A_336 = arith.addi %mul3A_3, %add3A_335 : vector<16xi32>
        %add3A_337 = arith.constant 288 : i32
        %add3A_338 = arith.addi %mul3A_76, %add3A_337 : i32
        %swap3A_339 = arith.index_cast %add3A_338 : i32 to index
        %swap3A_340 = tpu.vector_load %arg6[%swap3A_339] {strides = array<i32>} : memref<53248xi32, #tpu.memory_space<vmem>>, vector<16xi32>,
        tpu.vector_store %arg6[%swap3A_339], %add3A_336 {strides = array<i32>} : memref<53248xi32, #tpu.memory_space<vmem>>, vector<16xi32>,
        %add3A_341 = arith.constant 19 : i32
        %add3A_342 = arith.addi %mul3A_78, %add3A_341 : i32
        %get3A_343 = arith.index_cast %add3A_342 : i32 to index
        %get3A_344 = tpu.vector_load %arg5[%get3A_343] {strides = array<i32>} : memref<6400xi32, #tpu.memory_space<vmem>>, vector<16xi32>,
        %slice3A_345 = vector.extract_strided_slice %get3A_344 {offsets = [0], sizes = [1], strides = [1]} : vector<16xi32> to vector<1xi32>
        %squeeze3A_346 = vector.extract %slice3A_345[0] : i32 from vector<1xi32>
        %add3A_347 = arith.constant 30400000 : i32
        %add3A_348 = arith.addi %squeeze3A_346, %add3A_347 : i32
        %add3A_349 = vector.broadcast %add3A_348 : i32 to vector<16xi32>
        %add3A_350 = arith.addi %mul3A_3, %add3A_349 : vector<16xi32>
        %add3A_351 = arith.constant 304 : i32
        %add3A_352 = arith.addi %mul3A_76, %add3A_351 : i32
        %swap3A_353 = arith.index_cast %add3A_352 : i32 to index
        %swap3A_354 = tpu.vector_load %arg6[%swap3A_353] {strides = array<i32>} : memref<53248xi32, #tpu.memory_space<vmem>>, vector<16xi32>,
        tpu.vector_store %arg6[%swap3A_353], %add3A_350 {strides = array<i32>} : memref<53248xi32, #tpu.memory_space<vmem>>, vector<16xi32>,
        %add3A_355 = arith.constant 20 : i32
        %add3A_356 = arith.addi %mul3A_78, %add3A_355 : i32
        %get3A_357 = arith.index_cast %add3A_356 : i32 to index
        %get3A_358 = tpu.vector_load %arg5[%get3A_357] {strides = array<i32>} : memref<6400xi32, #tpu.memory_space<vmem>>, vector<16xi32>,
        %slice3A_359 = vector.extract_strided_slice %get3A_358 {offsets = [0], sizes = [1], strides = [1]} : vector<16xi32> to vector<1xi32>
        %squeeze3A_360 = vector.extract %slice3A_359[0] : i32 from vector<1xi32>
        %add3A_361 = arith.constant 32000000 : i32
        %add3A_362 = arith.addi %squeeze3A_360, %add3A_361 : i32
        %add3A_363 = vector.broadcast %add3A_362 : i32 to vector<16xi32>
        %add3A_364 = arith.addi %mul3A_3, %add3A_363 : vector<16xi32>
        %add3A_365 = arith.constant 320 : i32
        %add3A_366 = arith.addi %mul3A_76, %add3A_365 : i32
        %swap3A_367 = arith.index_cast %add3A_366 : i32 to index
        %swap3A_368 = tpu.vector_load %arg6[%swap3A_367] {strides = array<i32>} : memref<53248xi32, #tpu.memory_space<vmem>>, vector<16xi32>,
        tpu.vector_store %arg6[%swap3A_367], %add3A_364 {strides = array<i32>} : memref<53248xi32, #tpu.memory_space<vmem>>, vector<16xi32>,
        %add3A_369 = arith.constant 21 : i32
        %add3A_370 = arith.addi %mul3A_78, %add3A_369 : i32
        %get3A_371 = arith.index_cast %add3A_370 : i32 to index
        %get3A_372 = tpu.vector_load %arg5[%get3A_371] {strides = array<i32>} : memref<6400xi32, #tpu.memory_space<vmem>>, vector<16xi32>,
        %slice3A_373 = vector.extract_strided_slice %get3A_372 {offsets = [0], sizes = [1], strides = [1]} : vector<16xi32> to vector<1xi32>
        %squeeze3A_374 = vector.extract %slice3A_373[0] : i32 from vector<1xi32>
        %add3A_375 = arith.constant 33600000 : i32
        %add3A_376 = arith.addi %squeeze3A_374, %add3A_375 : i32
        %add3A_377 = vector.broadcast %add3A_376 : i32 to vector<16xi32>
        %add3A_378 = arith.addi %mul3A_3, %add3A_377 : vector<16xi32>
        %add3A_379 = arith.constant 336 : i32
        %add3A_380 = arith.addi %mul3A_76, %add3A_379 : i32
        %swap3A_381 = arith.index_cast %add3A_380 : i32 to index
        %swap3A_382 = tpu.vector_load %arg6[%swap3A_381] {strides = array<i32>} : memref<53248xi32, #tpu.memory_space<vmem>>, vector<16xi32>,
        tpu.vector_store %arg6[%swap3A_381], %add3A_378 {strides = array<i32>} : memref<53248xi32, #tpu.memory_space<vmem>>, vector<16xi32>,
        %add3A_383 = arith.constant 22 : i32
        %add3A_384 = arith.addi %mul3A_78, %add3A_383 : i32
        %get3A_385 = arith.index_cast %add3A_384 : i32 to index
        %get3A_386 = tpu.vector_load %arg5[%get3A_385] {strides = array<i32>} : memref<6400xi32, #tpu.memory_space<vmem>>, vector<16xi32>,
        %slice3A_387 = vector.extract_strided_slice %get3A_386 {offsets = [0], sizes = [1], strides = [1]} : vector<16xi32> to vector<1xi32>
        %squeeze3A_388 = vector.extract %slice3A_387[0] : i32 from vector<1xi32>
        %add3A_389 = arith.constant 35200000 : i32
        %add3A_390 = arith.addi %squeeze3A_388, %add3A_389 : i32
        %add3A_391 = vector.broadcast %add3A_390 : i32 to vector<16xi32>
        %add3A_392 = arith.addi %mul3A_3, %add3A_391 : vector<16xi32>
        %add3A_393 = arith.constant 352 : i32
        %add3A_394 = arith.addi %mul3A_76, %add3A_393 : i32
        %swap3A_395 = arith.index_cast %add3A_394 : i32 to index
        %swap3A_396 = tpu.vector_load %arg6[%swap3A_395] {strides = array<i32>} : memref<53248xi32, #tpu.memory_space<vmem>>, vector<16xi32>,
        tpu.vector_store %arg6[%swap3A_395], %add3A_392 {strides = array<i32>} : memref<53248xi32, #tpu.memory_space<vmem>>, vector<16xi32>,
        %add3A_397 = arith.constant 23 : i32
        %add3A_398 = arith.addi %mul3A_78, %add3A_397 : i32
        %get3A_399 = arith.index_cast %add3A_398 : i32 to index
        %get3A_400 = tpu.vector_load %arg5[%get3A_399] {strides = array<i32>} : memref<6400xi32, #tpu.memory_space<vmem>>, vector<16xi32>,
        %slice3A_401 = vector.extract_strided_slice %get3A_400 {offsets = [0], sizes = [1], strides = [1]} : vector<16xi32> to vector<1xi32>
        %squeeze3A_402 = vector.extract %slice3A_401[0] : i32 from vector<1xi32>
        %add3A_403 = arith.constant 36800000 : i32
        %add3A_404 = arith.addi %squeeze3A_402, %add3A_403 : i32
        %add3A_405 = vector.broadcast %add3A_404 : i32 to vector<16xi32>
        %add3A_406 = arith.addi %mul3A_3, %add3A_405 : vector<16xi32>
        %add3A_407 = arith.constant 368 : i32
        %add3A_408 = arith.addi %mul3A_76, %add3A_407 : i32
        %swap3A_409 = arith.index_cast %add3A_408 : i32 to index
        %swap3A_410 = tpu.vector_load %arg6[%swap3A_409] {strides = array<i32>} : memref<53248xi32, #tpu.memory_space<vmem>>, vector<16xi32>,
        tpu.vector_store %arg6[%swap3A_409], %add3A_406 {strides = array<i32>} : memref<53248xi32, #tpu.memory_space<vmem>>, vector<16xi32>,
        %add3A_411 = arith.constant 24 : i32
        %add3A_412 = arith.addi %mul3A_78, %add3A_411 : i32
        %get3A_413 = arith.index_cast %add3A_412 : i32 to index
        %get3A_414 = tpu.vector_load %arg5[%get3A_413] {strides = array<i32>} : memref<6400xi32, #tpu.memory_space<vmem>>, vector<16xi32>,
        %slice3A_415 = vector.extract_strided_slice %get3A_414 {offsets = [0], sizes = [1], strides = [1]} : vector<16xi32> to vector<1xi32>
        %squeeze3A_416 = vector.extract %slice3A_415[0] : i32 from vector<1xi32>
        %add3A_417 = arith.constant 38400000 : i32
        %add3A_418 = arith.addi %squeeze3A_416, %add3A_417 : i32
        %add3A_419 = vector.broadcast %add3A_418 : i32 to vector<16xi32>
        %add3A_420 = arith.addi %mul3A_3, %add3A_419 : vector<16xi32>
        %add3A_421 = arith.constant 384 : i32
        %add3A_422 = arith.addi %mul3A_76, %add3A_421 : i32
        %swap3A_423 = arith.index_cast %add3A_422 : i32 to index
        %swap3A_424 = tpu.vector_load %arg6[%swap3A_423] {strides = array<i32>} : memref<53248xi32, #tpu.memory_space<vmem>>, vector<16xi32>,
        tpu.vector_store %arg6[%swap3A_423], %add3A_420 {strides = array<i32>} : memref<53248xi32, #tpu.memory_space<vmem>>, vector<16xi32>,
        %add3A_425 = arith.constant 25 : i32
        %add3A_426 = arith.addi %mul3A_78, %add3A_425 : i32
        %get3A_427 = arith.index_cast %add3A_426 : i32 to index
        %get3A_428 = tpu.vector_load %arg5[%get3A_427] {strides = array<i32>} : memref<6400xi32, #tpu.memory_space<vmem>>, vector<16xi32>,
        %slice3A_429 = vector.extract_strided_slice %get3A_428 {offsets = [0], sizes = [1], strides = [1]} : vector<16xi32> to vector<1xi32>
        %squeeze3A_430 = vector.extract %slice3A_429[0] : i32 from vector<1xi32>
        %add3A_431 = arith.constant 40000000 : i32
        %add3A_432 = arith.addi %squeeze3A_430, %add3A_431 : i32
        %add3A_433 = vector.broadcast %add3A_432 : i32 to vector<16xi32>
        %add3A_434 = arith.addi %mul3A_3, %add3A_433 : vector<16xi32>
        %add3A_435 = arith.constant 400 : i32
        %add3A_436 = arith.addi %mul3A_76, %add3A_435 : i32
        %swap3A_437 = arith.index_cast %add3A_436 : i32 to index
        %swap3A_438 = tpu.vector_load %arg6[%swap3A_437] {strides = array<i32>} : memref<53248xi32, #tpu.memory_space<vmem>>, vector<16xi32>,
        tpu.vector_store %arg6[%swap3A_437], %add3A_434 {strides = array<i32>} : memref<53248xi32, #tpu.memory_space<vmem>>, vector<16xi32>,
        %scan3A_439 = arith.constant 0 : i32
        scf.yield %scan3A_439 : i32
      }
      %scan3A_51 = arith.constant 64 : i32
      %scan3A_52 = arith.constant 0 : i32
      %scan3A_53 = arith.constant 0 : i32
      %scan3A_54 = arith.constant 296 : i32
      %scan3A_55 = arith.addi %scan3A_53, %scan3A_54 : i32
      %scan3A_56 = arith.constant 1 : i32
      %scan3A_57 = scf.for %scan3A_71 = %scan3A_53 to %scan3A_55 step %scan3A_56 iter_args(%scan3A_72 = %scan3A_52) -> (i32)  : i32 {
        %mul3A_73 = arith.constant 16 : i32
        %mul3A_74 = arith.muli %scan3A_71, %mul3A_73 : i32
        %add3A_75 = vector.broadcast %mul3A_74 : i32 to vector<16xi32>
        %add3A_76 = arith.addi %add3A_75, %iota3A : vector<16xi32>
        %jit3A = arith.constant 74 : i32
        %div3A = vector.broadcast %jit3A : i32 to vector<16xi32>
        %div3A_77 = arith.divsi %add3A_76, %div3A : vector<16xi32>
        %sign3A = arith.constant 0 : i32
        %sign3A_78 = vector.broadcast %sign3A : i32 to vector<16xi32>
        %sign3A_79 = arith.cmpi sgt, %add3A_76, %sign3A_78 : vector<16xi32>
        %sign3A_80 = arith.extui %sign3A_79 : vector<16xi1> to vector<16xi32>
        %sign3A_81 = arith.constant 0 : i32
        %sign3A_82 = vector.broadcast %sign3A_81 : i32 to vector<16xi32>
        %sign3A_83 = arith.cmpi slt, %add3A_76, %sign3A_82 : vector<16xi32>
        %sign3A_84 = arith.extui %sign3A_83 : vector<16xi1> to vector<16xi32>
        %sign3A_85 = arith.subi %sign3A_80, %sign3A_84 : vector<16xi32>
        %sign3A_86 = arith.constant 0 : i32
        %sign3A_87 = arith.cmpi sgt, %jit3A, %sign3A_86 : i32
        %sign3A_88 = arith.extui %sign3A_87 : i1 to i32
        %sign3A_89 = arith.constant 0 : i32
        %sign3A_90 = arith.cmpi slt, %jit3A, %sign3A_89 : i32
        %sign3A_91 = arith.extui %sign3A_90 : i1 to i32
        %sign3A_92 = arith.subi %sign3A_88, %sign3A_91 : i32
        %ne3A = vector.broadcast %sign3A_92 : i32 to vector<16xi32>
        %ne3A_93 = arith.cmpi ne, %sign3A_85, %ne3A : vector<16xi32>
        %rem3A = vector.broadcast %jit3A : i32 to vector<16xi32>
        %rem3A_94 = arith.remsi %add3A_76, %rem3A : vector<16xi32>
        %ne3A_95 = arith.constant 0 : i32
        %ne3A_96 = vector.broadcast %ne3A_95 : i32 to vector<16xi32>
        %ne3A_97 = arith.cmpi ne, %rem3A_94, %ne3A_96 : vector<16xi32>
        %and3A = arith.andi %ne3A_93, %ne3A_97 : vector<16xi1>
        %sub3A = arith.constant 1 : i32
        %sub3A_98 = vector.broadcast %sub3A : i32 to vector<16xi32>
        %sub3A_99 = arith.subi %div3A_77, %sub3A_98 : vector<16xi32>
        %select_n3A = arith.select %and3A, %sub3A_99, %div3A_77 : vector<16xi1>, vector<16xi32>
        %mul3A_100 = arith.constant 74 : i32
        %mul3A_101 = vector.broadcast %mul3A_100 : i32 to vector<16xi32>
        %mul3A_102 = arith.muli %mul3A_101, %select_n3A : vector<16xi32>
        %sub3A_103 = arith.subi %add3A_76, %mul3A_102 : vector<16xi32>
        %add3A_104 = arith.constant 26 : i32
        %add3A_105 = vector.broadcast %add3A_104 : i32 to vector<16xi32>
        %add3A_106 = arith.addi %add3A_105, %add3A_76 : vector<16xi32>
        %mul3A_107 = arith.constant 26 : i32
        %mul3A_108 = vector.broadcast %mul3A_107 : i32 to vector<16xi32>
        %mul3A_109 = arith.muli %mul3A_108, %select_n3A : vector<16xi32>
        %add3A_110 = arith.addi %add3A_106, %mul3A_109 : vector<16xi32>
        %gather3A = tpu.vector_load_idx %arg5[%add3A_110] : memref<6400xi32, #tpu.memory_space<vmem>>[vector<16xi32>], vector<16xi32>,
        %convert_element_type3A = arith.sitofp %gather3A : vector<16xi32> to vector<16xf32>
        %add3A_111 = arith.constant 64 : i32
        %add3A_112 = vector.broadcast %add3A_111 : i32 to vector<16xi32>
        %add3A_113 = arith.addi %add3A_112, %select_n3A : vector<16xi32>
        %add3A_114 = arith.constant 416 : i32
        %add3A_115 = vector.broadcast %add3A_114 : i32 to vector<16xi32>
        %add3A_116 = arith.addi %add3A_115, %sub3A_103 : vector<16xi32>
        tpu.vector_store_idx %arg7[%add3A_113, %add3A_116], %convert_element_type3A : memref<128x490xf32, #tpu.memory_space<vmem>>[vector<16xi32>, vector<16xi32>], vector<16xf32>,
        %scan3A_117 = arith.constant 0 : i32
        scf.yield %scan3A_117 : i32
      }
      %scan3A_58 = arith.constant 296 : i32
      %scan3A_59 = arith.constant 0 : i32
      %scan3A_60 = arith.constant 0 : i32
      %scan3A_61 = arith.constant 128 : i32
      %scan3A_62 = arith.addi %scan3A_60, %scan3A_61 : i32
      %scan3A_63 = arith.constant 1 : i32
      %scan3A_64 = scf.for %scan3A_71 = %scan3A_60 to %scan3A_62 step %scan3A_63 iter_args(%scan3A_72 = %scan3A_59) -> (i32)  : i32 {
        %mul3A_73 = arith.constant 416 : i32
        %mul3A_74 = arith.muli %scan3A_71, %mul3A_73 : i32
        %add3A_75 = arith.constant 0 : i32
        %add3A_76 = arith.addi %mul3A_74, %add3A_75 : i32
        %dma_start3A_77 = arith.constant 0 : i32
        %dma_start3A_78 = tpu.memref_slice %arg7[%scan3A_71, %dma_start3A_77] : memref<128x490xf32, #tpu.memory_space<vmem>> -> memref<1x104xf32, #tpu.memory_space<vmem>>
        %dma_start3A_79 = tpu.memref_squeeze %dma_start3A_78 : memref<1x104xf32, #tpu.memory_space<vmem>> -> memref<104xf32, #tpu.memory_space<vmem>>
        %dma_start3A_80 = tpu.memref_slice %arg6[%add3A_76] : memref<53248xi32, #tpu.memory_space<vmem>> -> memref<104xi32, #tpu.memory_space<vmem>>
        %dma_start3A_81 = arith.constant 0 : i32
        %dma_start3A_82 = tpu.memref_slice %arg3[%dma_start3A_81] : memref<41600000xf32, #tpu.memory_space<hbm>> -> memref<41600000xf32, #tpu.memory_space<hbm>>
        tpu.enqueue_indirect_dma source(%dma_start3A_82 : memref<41600000xf32, #tpu.memory_space<hbm>>) target(%dma_start3A_79 : memref<104xf32, #tpu.memory_space<vmem>>) offsets(%dma_start3A_80 : memref<104xi32, #tpu.memory_space<vmem>>) semaphore(%arg9 : memref<!tpu.dma_semaphore, #tpu.memory_space<semaphore_mem>>)
        %mul3A_83 = arith.constant 416 : i32
        %mul3A_84 = arith.muli %scan3A_71, %mul3A_83 : i32
        %add3A_85 = arith.constant 104 : i32
        %add3A_86 = arith.addi %mul3A_84, %add3A_85 : i32
        %dma_start3A_87 = arith.constant 104 : i32
        %dma_start3A_88 = tpu.memref_slice %arg7[%scan3A_71, %dma_start3A_87] : memref<128x490xf32, #tpu.memory_space<vmem>> -> memref<1x104xf32, #tpu.memory_space<vmem>>
        %dma_start3A_89 = tpu.memref_squeeze %dma_start3A_88 : memref<1x104xf32, #tpu.memory_space<vmem>> -> memref<104xf32, #tpu.memory_space<vmem>>
        %dma_start3A_90 = tpu.memref_slice %arg6[%add3A_86] : memref<53248xi32, #tpu.memory_space<vmem>> -> memref<104xi32, #tpu.memory_space<vmem>>
        %dma_start3A_91 = arith.constant 0 : i32
        %dma_start3A_92 = tpu.memref_slice %arg3[%dma_start3A_91] : memref<41600000xf32, #tpu.memory_space<hbm>> -> memref<41600000xf32, #tpu.memory_space<hbm>>
        tpu.enqueue_indirect_dma source(%dma_start3A_92 : memref<41600000xf32, #tpu.memory_space<hbm>>) target(%dma_start3A_89 : memref<104xf32, #tpu.memory_space<vmem>>) offsets(%dma_start3A_90 : memref<104xi32, #tpu.memory_space<vmem>>) semaphore(%arg9 : memref<!tpu.dma_semaphore, #tpu.memory_space<semaphore_mem>>)
        %mul3A_93 = arith.constant 416 : i32
        %mul3A_94 = arith.muli %scan3A_71, %mul3A_93 : i32
        %add3A_95 = arith.constant 208 : i32
        %add3A_96 = arith.addi %mul3A_94, %add3A_95 : i32
        %dma_start3A_97 = arith.constant 208 : i32
        %dma_start3A_98 = tpu.memref_slice %arg7[%scan3A_71, %dma_start3A_97] : memref<128x490xf32, #tpu.memory_space<vmem>> -> memref<1x104xf32, #tpu.memory_space<vmem>>
        %dma_start3A_99 = tpu.memref_squeeze %dma_start3A_98 : memref<1x104xf32, #tpu.memory_space<vmem>> -> memref<104xf32, #tpu.memory_space<vmem>>
        %dma_start3A_100 = tpu.memref_slice %arg6[%add3A_96] : memref<53248xi32, #tpu.memory_space<vmem>> -> memref<104xi32, #tpu.memory_space<vmem>>
        %dma_start3A_101 = arith.constant 0 : i32
        %dma_start3A_102 = tpu.memref_slice %arg3[%dma_start3A_101] : memref<41600000xf32, #tpu.memory_space<hbm>> -> memref<41600000xf32, #tpu.memory_space<hbm>>
        tpu.enqueue_indirect_dma source(%dma_start3A_102 : memref<41600000xf32, #tpu.memory_space<hbm>>) target(%dma_start3A_99 : memref<104xf32, #tpu.memory_space<vmem>>) offsets(%dma_start3A_100 : memref<104xi32, #tpu.memory_space<vmem>>) semaphore(%arg9 : memref<!tpu.dma_semaphore, #tpu.memory_space<semaphore_mem>>)
        %mul3A_103 = arith.constant 416 : i32
        %mul3A_104 = arith.muli %scan3A_71, %mul3A_103 : i32
        %add3A_105 = arith.constant 312 : i32
        %add3A_106 = arith.addi %mul3A_104, %add3A_105 : i32
        %dma_start3A_107 = arith.constant 312 : i32
        %dma_start3A_108 = tpu.memref_slice %arg7[%scan3A_71, %dma_start3A_107] : memref<128x490xf32, #tpu.memory_space<vmem>> -> memref<1x104xf32, #tpu.memory_space<vmem>>
        %dma_start3A_109 = tpu.memref_squeeze %dma_start3A_108 : memref<1x104xf32, #tpu.memory_space<vmem>> -> memref<104xf32, #tpu.memory_space<vmem>>
        %dma_start3A_110 = tpu.memref_slice %arg6[%add3A_106] : memref<53248xi32, #tpu.memory_space<vmem>> -> memref<104xi32, #tpu.memory_space<vmem>>
        %dma_start3A_111 = arith.constant 0 : i32
        %dma_start3A_112 = tpu.memref_slice %arg3[%dma_start3A_111] : memref<41600000xf32, #tpu.memory_space<hbm>> -> memref<41600000xf32, #tpu.memory_space<hbm>>
        tpu.enqueue_indirect_dma source(%dma_start3A_112 : memref<41600000xf32, #tpu.memory_space<hbm>>) target(%dma_start3A_109 : memref<104xf32, #tpu.memory_space<vmem>>) offsets(%dma_start3A_110 : memref<104xi32, #tpu.memory_space<vmem>>) semaphore(%arg9 : memref<!tpu.dma_semaphore, #tpu.memory_space<semaphore_mem>>)
        %scan3A_113 = arith.constant 0 : i32
        scf.yield %scan3A_113 : i32
      }
      %scan3A_65 = arith.constant 128 : i32
      %dma_wait3A_66 = arith.constant 0 : i32
      %dma_wait3A_67 = tpu.memref_slice %arg2[%dma_wait3A_66] : memref<1638400xi32, #tpu.memory_space<hbm>> -> memref<53248xi32, #tpu.memory_space<hbm>>
      %dma_wait3A_68 = arith.constant 0 : i32
      %dma_wait3A_69 = tpu.memref_slice %arg2[%dma_wait3A_68] : memref<1638400xi32, #tpu.memory_space<hbm>> -> memref<53248xi32, #tpu.memory_space<hbm>>
      tpu.wait_dma2 semaphore(%arg9 : memref<!tpu.dma_semaphore, #tpu.memory_space<semaphore_mem>>) src(%dma_wait3A_69 : memref<53248xi32, #tpu.memory_space<hbm>>) dst(%arg6 : memref<53248xi32, #tpu.memory_space<vmem>>)
      "tpu.region"() ({
        %run_scoped3A = tpu.sem_alloc : memref<!tpu.dma_semaphore, #tpu.memory_space<semaphore_mem>>
        %dma_start3A_71 = arith.constant 0 : i32
        %dma_start3A_72 = tpu.memref_slice %arg4[%add3A_16, %dma_start3A_71] : memref<16384x490xf32, #tpu.memory_space<hbm>> -> memref<128x490xf32, #tpu.memory_space<hbm>>
        %dma_start3A_73 = arith.constant 0 : i32
        %dma_start3A_74 = tpu.memref_slice %arg4[%add3A_16, %dma_start3A_73] : memref<16384x490xf32, #tpu.memory_space<hbm>> -> memref<128x490xf32, #tpu.memory_space<hbm>>
        tpu.enqueue_dma source(%arg7 : memref<128x490xf32, #tpu.memory_space<vmem>>) target(%dma_start3A_74 : memref<128x490xf32, #tpu.memory_space<hbm>>) target_semaphore(%run_scoped3A : memref<!tpu.dma_semaphore, #tpu.memory_space<semaphore_mem>>)
        %dma_wait3A_75 = arith.constant 0 : i32
        %dma_wait3A_76 = tpu.memref_slice %arg4[%add3A_16, %dma_wait3A_75] : memref<16384x490xf32, #tpu.memory_space<hbm>> -> memref<128x490xf32, #tpu.memory_space<hbm>>
        %dma_wait3A_77 = arith.constant 0 : i32
        %dma_wait3A_78 = tpu.memref_slice %arg4[%add3A_16, %dma_wait3A_77] : memref<16384x490xf32, #tpu.memory_space<hbm>> -> memref<128x490xf32, #tpu.memory_space<hbm>>
        tpu.wait_dma2 semaphore(%run_scoped3A : memref<!tpu.dma_semaphore, #tpu.memory_space<semaphore_mem>>) src(%arg7 : memref<128x490xf32, #tpu.memory_space<vmem>>) dst(%dma_wait3A_78 : memref<128x490xf32, #tpu.memory_space<hbm>>)
        tpu.yield
      }) : () -> ()
      %scan3A_70 = arith.constant 0 : i32
      scf.yield %scan3A_70 : i32
    }
    %scan3A_9 = arith.constant 4 : i32
    return
  }
}

</mosaic_0001>

<sc_bundles>
// kernel: kernel.3.cloned.1.call-start
scs
__scs_entry_jumppad:
0x0: {  	(pc) =	sbr.rel $0x88, $3  }
0x1: {  	(tag) =	ssettag $0x0;
	lr =	simm.s32 $0x1  }
0x2: {  	[smem:$0x3F9F] =	sst lr;
	_ =	strace $0xD0000000  }
0x3: {  	_ = 	snop  }
0x4: {  	_ = 	snop  }
0x5: {  	_ = 	snop  }
0x6: {  	_ = 	snop  }
0x7: {  	_ = 	snop  }
__scs_overlays_trampoline_lowered:
0x8: {  	[smem:$0x3FAE] =	sst s0  }
0x9: {  	[smem:$0x3FAF] =	sst s1  }
0xa: {  	[smem:$0x3FB0] =	sst s2  }
0xb: {  	[smem:$0x3FB1] =	sst s3  }
0xc: {  	[smem:$0x3FB2] =	sst s4  }
0xd: {  	[smem:$0x3FB3] =	sst s5  }
0xe: {  	[smem:$0x3FB4] =	sst s6  }
0xf: {  	[smem:$0x3FB5] =	sst s7  }
0x10: {  	[smem:$0x3FB6] =	sst s8  }
0x11: {  	[smem:$0x3FB7] =	sst s9;
	s0 =	simm.s32 @!p0 $0x0  }
0x12: {  	s1 =	sld [smem:$0x3F9D];
	s0 =	simm.s32 @p0 $0x1  }
0x13: {  	[smem:$0x3FB8] =	sst s0;
	s0 =	simm.s32 @!p1 $0x0  }
0x14: {  	s2 =	sld [smem:$0x3F9C];
	s0 =	simm.s32 @p1 $0x1  }
0x15: {  	[smem:$0x3FB9] =	sst s0;
	s0 =	simm.s32 @!p2 $0x0  }
0x16: {  	s3 =	sld [smem:$0x3FDB];
	s0 =	simm.s32 @p2 $0x1  }
0x17: {  	s4 =	simm.s32 $0x1BF5;
	[smem:$0x3FBB] =	sst s0  }
0x18: {  	s0 =	sld [smem:$0x3F9E];
	_ =	swait.ge [sflag:s4], $0x0  }
0x19: {  	s7 =	sld [smem:$0x3F9F]  }
0x1a: {  	s8 =	sadd.s32 $0xFFFFE003, lr  }
0x1b: {  	s9 =	sadd.s32 $0xFFFFFEF7, lr;
	s5 =	simm.s32 $0xFFFFFFFF;
	p2 =	slt.u32 s8, $0xFFFFF086  }
0x1c: {  	p1 =	slt.u32 s9, $0xF7A;
	s5 =	simm.s32 @!p2 $0x0  }
0x1d: {  	s5 =	simm.s32 @p1 $0x1;
	p0 =	seq.s32 s7, s2  }
0x1e: {  	s7 =	smul.u32 @!p0 $0xF7A, s2;
	p2 =	seq.s32 @!p0 s5, $0x0  }
0x1f: {  	s9 =	smul.u32 $0xF7A, s1;
	s8 =	simm.s32 @!p0 $0x1BF5;
	p2 =	por !p2, p0  }
0x20: {  	[sflag:s8] =	ssyncset.s32 @!p0 $0xFFFFF086;
	s6 =	sadd.s32 @!p0 s3, s7;
	s7 =	simm.s32 @!p0 $0x108  }
0x21: {  	s3 =	sadd.s32 s3, s9;
	s6 =	sadd.s32 @!p0 $0x88, s6;
	s7 =	simm.s32 @p2 $0x1082  }
0x22: {  	[simem:s7], [sflag:s8] =	dma.local @!p0 [hbm:s6], $0xF7A  }
0x23: {  	s9 =	sor.u32 $0xD0000000, s2;
	s6 =	simm.s32 $0x108;
	_ =	swait.ge @!p0 [sflag:s8], $0x0  }
0x24: {  	s3 =	sadd.s32 $0x88, s3;
	s6 =	simm.s32 @!p1 $0x1082;
	[sflag:s4] =	ssyncset.s32 $0xFFFFF086  }
0x25: {  	[simem:s6], [sflag:s4] =	dma.local [hbm:s3], $0xF7A  }
0x26: {  	[smem:$0x3F9F] =	sst s1;
	(tag) =	ssettag s2;
	_ =	strace s9  }
0x27: {  	s1 =	sld [smem:$0x3FAF]  }
0x28: {  	s2 =	sld [smem:$0x3FB0]  }
0x29: {  	s4 =	sld [smem:$0x3FB2]  }
0x2a: {  	p0 =	seq.s32 s5, $0x0;
	s5 =	sld [smem:$0x3FB3]  }
0x2b: {  	s6 =	sld [smem:$0x3FB4]  }
0x2c: {  	s7 =	sld [smem:$0x3FB5]  }
0x2d: {  	s3 =	simm.s32 $0x108;
	s8 =	sld [smem:$0x3FB6]  }
0x2e: {  	s3 =	simm.s32 @!p0 $0x1082;
	s9 =	sld [smem:$0x3FB7]  }
0x2f: {  	lr =	sadd.s32 s0, s3;
	s0 =	sld [smem:$0x3FAE]  }
0x30: {  	s3 =	sld [smem:$0x3FB1]  }
0x31: {  	[smem:$0x3FBA] =	sst s10  }
0x32: {  	s10 =	sld [smem:$0x3FB8];
	_ =	sdelay $0x3  }
0x33: {  	p0 =	seq.s32 s10, $0x1;
	s10 =	sld [smem:$0x3FBA];
	_ =	sdelay $0x3  }
0x34: {  	[smem:$0x3FBA] =	sst s10  }
0x35: {  	s10 =	sld [smem:$0x3FB9];
	_ =	sdelay $0x3  }
0x36: {  	p1 =	seq.s32 s10, $0x1;
	s10 =	sld [smem:$0x3FBA];
	_ =	sdelay $0x3  }
0x37: {  	[smem:$0x3FBA] =	sst s10  }
0x38: {  	s10 =	sld [smem:$0x3FBB]  }
0x39: {  	_ = 	snop;
	(pc) =	sbr.ind lr, $3  }
0x3a: {  	_ = 	snop  }
0x3b: {  	_ = 	snop  }
0x3c: {  	p2 =	seq.s32 s10, $0x1;
	s10 =	sld [smem:$0x3FBA]  }
0x3d: {  	_ =	shalt  }
0x3e: {  	_ =	shalt  }
0x3f: {  	_ =	shalt  }
0x40: {  	_ =	shalt  }
0x41: {  	_ =	shalt  }
0x42: {  	_ =	shalt  }
0x43: {  	_ =	shalt  }
0x44: {  	_ =	shalt  }
0x45: {  	_ =	shalt  }
0x46: {  	_ =	shalt  }
0x47: {  	_ =	shalt  }
0x48: {  	_ =	shalt  }
0x49: {  	_ =	shalt  }
0x4a: {  	_ =	shalt  }
0x4b: {  	_ =	shalt  }
0x4c: {  	_ =	shalt  }
0x4d: {  	_ =	shalt  }
0x4e: {  	_ =	shalt  }
0x4f: {  	_ =	shalt  }
0x50: {  	_ =	shalt  }
0x51: {  	_ =	shalt  }
0x52: {  	_ =	shalt  }
0x53: {  	_ =	shalt  }
0x54: {  	_ =	shalt  }
0x55: {  	_ =	shalt  }
0x56: {  	_ =	shalt  }
0x57: {  	_ =	shalt  }
0x58: {  	_ =	shalt  }
0x59: {  	_ =	shalt  }
0x5a: {  	_ =	shalt  }
0x5b: {  	_ =	shalt  }
0x5c: {  	_ =	shalt  }
0x5d: {  	_ =	shalt  }
0x5e: {  	_ =	shalt  }
0x5f: {  	_ =	shalt  }
0x60: {  	_ =	shalt  }
0x61: {  	_ =	shalt  }
0x62: {  	_ =	shalt  }
0x63: {  	_ =	shalt  }
0x64: {  	_ =	shalt  }
0x65: {  	_ =	shalt  }
0x66: {  	_ =	shalt  }
0x67: {  	_ =	shalt  }
0x68: {  	_ =	shalt  }
0x69: {  	_ =	shalt  }
0x6a: {  	_ =	shalt  }
0x6b: {  	_ =	shalt  }
0x6c: {  	_ =	shalt  }
0x6d: {  	_ =	shalt  }
0x6e: {  	_ =	shalt  }
0x6f: {  	_ =	shalt  }
0x70: {  	_ =	shalt  }
0x71: {  	_ =	shalt  }
0x72: {  	_ =	shalt  }
0x73: {  	_ =	shalt  }
0x74: {  	_ =	shalt  }
0x75: {  	_ =	shalt  }
0x76: {  	_ =	shalt  }
0x77: {  	_ =	shalt  }
0x78: {  	_ =	shalt  }
0x79: {  	_ =	shalt  }
0x7a: {  	_ =	shalt  }
0x7b: {  	_ =	shalt  }
0x7c: {  	_ =	shalt  }
0x7d: {  	_ =	shalt  }
0x7e: {  	_ =	shalt  }
0x7f: {  	_ =	shalt  }
0x80: {  	_ =	shalt  }
0x81: {  	_ =	shalt  }
0x82: {  	_ =	shalt  }
0x83: {  	_ =	shalt  }
0x84: {  	_ =	shalt  }
0x85: {  	_ =	shalt  }
0x86: {  	_ =	shalt  }
0x87: {  	_ =	shalt  }
.Lfunc_end0:
.L_simem_size_0:
called_computation_lowered:
.L_overlay_start_0:
0x88: {  	s2 =	sld [smem:$0x3FD9]  }
0x89: {  	s3 =	sld [smem:$0x3FFE];
	_ =	sdelay $0x1  }
0x8a: {  	s1 =	srdreg.scid  }
0x8b: {  	s0 =	sand.u32 $0x1, s1  }
0x8c: {  	s17 =	sshll.u32 s0, $0xA;
	s2 =	sadd.s32 s3, s2  }
0x8d: {  	s2 =	sadd.s32 s2, s17  }
0x8e: {  	[smem:$0x3FC6] =	sst s2  }
0x8f: {  	_ = 	snop  }
0x90: {  	s2 =	sld [smem:$0x3FD0];
	(tm) =	ssettm $0x1  }
0x91: {  	s18 =	sld [smem:$0x3FFB];
	_ =	sdelay $0x3  }
0x92: {  	_ =	strace s18  }
0x93: {  	s3 =	sld [smem:$0x3FFC];
	_ =	sdelay $0x3  }
0x94: {  	_ =	strace s3  }
0x95: {  	s3 =	sld [smem:$0x3FFD];
	_ =	sdelay $0x3  }
0x96: {  	_ =	strace s3  }
0x97: {  	_ =	strace $0x8FFFFFFF  }
0x98: {  	s19 =	sld [smem:$0x3FDB];
	_ =	sdelay $0x1  }
0x99: {  	s4 =	simm.s32 $_scs_section_size  }
0x9a: {  	s5 =	simm.s32 $_size__tile_overlayer_lowered;
	s6 =	simm.s32 $_tile_overlayer_lowered  }
0x9b: {  	s22 =	simm.s32 $0x1BFF;
	s21 =	sshll.u32 s6, $0x1;
	s3 =	sadd.s32 s4, s19  }
0x9c: {  	s7 =	simm.s32 $0x0;
	s20 =	sshll.u32 s5, $0x1;
	s5 =	sadd.s32 s21, s3  }
0x9d: {  	[timem:s7], [sflag:s22] =	dma.local [hbm:s5], s20  }
0x9e: {  	_ =	swait.ge [sflag:s22], s20  }
0x9f: {  	s4 =	ssub.s32 $0x0, s20;
	[sflag:s22] =	ssyncset.done $0x0  }
0xa0: {  	[sflag:s22] =	ssyncadd.s32 s4;
	_ =	sdelay $0x1  }
0xa1: {  	s23 =	simm.s32 $0x1B8B  }
0xa2: {  	_ =	swait.ge [sflag:s23], $0x1  }
0xa3: {  	[sflag:s23] =	ssyncset.done $0x0  }
0xa4: {  	s25 =	simm.s32 $0x1B8E;
	s24 =	sld [smem:$0x3FFE];
	[sflag:s23] =	ssyncadd.s32 $0xFFFFFFFF  }
0xa5: {  	s26 =	simm.s32 $execute0_lowered;
	[smem:$0x3FD2] =	sst s25  }
0xa6: {  	s5 =	sshll.u32 s26, $0x1;
	_ =	strace $0x80000046;
	[dreg:$0x1] =	wrdreg $0xFFFFFFFF  }
0xa7: {  	s28 =	simm.s32 $_size_execute0_lowered;
	s3 =	sadd.s32 s3, s5;
	[dreg:$0x0] =	wrdreg $0x0  }
0xa8: {  	s5 =	sshll.u32 s28, $0x1;
	[dreg:$0x2] =	wrdreg s3  }
0xa9: {  	[dreg:$0x3] =	wrdreg s5  }
0xaa: {  	[dreg:$0x4] =	wrdreg $0xC0  }
0xab: {  	_ =	task [dreg:s7], $0x5FFFF  }
0xac: {  	[dreg:$0x1] =	wrdreg $0xFFFFFFFF  }
0xad: {  	[dreg:$0x0] =	wrdreg $0x60  }
0xae: {  	[dreg:$0x2] =	wrdreg s24  }
0xaf: {  	[dreg:$0x3] =	wrdreg s2  }
0xb0: {  	[dreg:$0x4] =	wrdreg $0x9  }
0xb1: {  	_ =	task.clear_ibuf [dreg:s7], $0x5FFFF;
	_ =	strace $0x90000046  }
0xb2: {  	s29 =	simm.s32 $0x9;
	_ =	strace $0x80000048  }
0xb3: {  	_ =	swait.ge [sflag:s29], $0x1  }
0xb4: {  	[sflag:s29] =	ssyncadd.s32 $0xFFFFFFFF  }
0xb5: {  	_ =	strace $0x90000048  }
0xb6: {  	_ =	sfence  }
0xb7: {  	s30 =	sld [smem:$0x0];
	_ =	sdelay $0x2  }
0xb8: {  	s31 =	sshll.u32 s1, $0xD;
	s1 =	sshrl.u32 s1, $0x2  }
0xb9: {  	s3 =	sand.u32 $0x4000, s31;
	s1 =	sadd.s32 s1, s30  }
0xba: {  	s0 =	sor.u32 s3, s0;
	s1 =	sshll.u32 s1, $0x11  }
0xbb: {  	s0 =	sor.u32 s1, s0  }
0xbc: {  	s0 =	sadd.s32 $0x8F2B, s0  }
0xbd: {  	[sflag:s0] =	ssyncadd.remote.s32 $0x1  }
0xbe: {  	_ =	sfence.sel $0xFFFF  }
0xbf: {  	[dreg:$0x0] =	wrdreg $0xFFFFFFFF;
	(pc) =	sbr.abs _section_cstart, $3  }
0xc0: {  	[dreg:$0x1] =	wrdreg $0xFFFFFFFF  }
0xc1: {  	_ =	task.clear_ibuf [dreg:s7], $0x2FFFF;
	_ =	strace $0x9FFFFFFF  }
0xc2: {  	(tm) =	ssettm $0x7FFFFFFF  }
0xc3: {  	_ =	shalt  }
tec
execute0_lowered:
.L_overlay_start_1:
0x0: {  	(tag) =	ssettag $0x1  }
0x1: {  	s5 =	rddreg [dreg:$0x0]  }
0x2: {  	s1 =	rddreg [dreg:$0x1]  }
0x3: {  	s0 =	rddreg [dreg:$0x2];
	s2 =	simm.s32 $0x0  }
0x4: {  	s3 =	srdreg.scid;
	s9 =	simm.s32 $0xE900;
	s10 =	simm.s32 $0x68  }
0x5: {  	s11 =	simm.s32 $0x2;
	s12 =	simm.s32 $0x3;
	s13 =	simm.s32 $0x0  }
.Ltmp0:
0x6: {  	[smem:$0x7FF] =	sst s2;
	s6 =	sand.u32 $0x1, s3;
	(pc) =	sbr.rel .LBB2_1-.Ltmp0, $4  }
0x7: {  	s4 =	sadd.s32 $0x400, s5;
	s3 =	stileid.u32;
	s7 =	ssub.s32 $0x2, s6  }
0x8: {  	s5 =	sadd.s32 $0x32400, s5;
	_ =	strace $0x80000047;
	s8 =	sshrl.u32 s7, $0x1  }
0x9: {  	v0 =	vlaneseq.u32;
	s31 =	sshll.u32 s3, $0xA;
	s6 =	sshll.u32 s6, $0x9;
	s7 =	ssub.s32 s7, s8  }
0xa: {  	v2 =	vimm.s32 $0x0;
	v1 =	vmul.u32 $0x186A0, v0;
	v3 =	vadd.s32 $0x1A, v0;
	s6 =	sor.u32 s6, s31;
	s8 =	simm.s32 $0x1;
	s7 =	smax.u32 s7, $0x1  }
.LBB2_15:
0xb: {  	s13 =	sadd.s32 $0x1, s13  }
0xc: {  	p0 =	sne.s32 s13, s7  }
.Ltmp1:
0xd: {  	_ = 	snop;
	(pc) =	sbr.rel @!p0 .LBB2_16-.Ltmp1, $1  }
0xe: {  	_ =	sdelay $0x3  }
.LBB2_1:
0xf: {  	s14 =	simm.s32 $0x0  }
.LBB2_2:
0x10: {  	s15 =	sshll.u32 s14, $0x7  }
0x11: {  	s15 =	sadd.s32 s6, s15  }
0x12: {  	s16 =	smul.u32 $0x64, s15;
	_ =	sdelay $0x1  }
0x13: {  	s16 =	sshrl.u32 s16, $0x3  }
0x14: {  	s17 =	simm.s32 $0x0;
	s16 =	sadd.s32 s4, s16  }
0x15: {  	[tilespmem:s17], [sflag:$0x1] =	stream.linear.gather [hbm4b:s16+s17], $0x1900, $0x38;
	[tilespmem:$0x1E100] =	vst v63  }
0x16: {  	_ =	swait.ge [sflag:s8], $0x1900  }
0x17: {  	[sflag:s8] =	ssyncset.done $0x0  }
0x18: {  	s19 =	simm.s32 $0xD;
	[sflag:s8] =	ssyncadd.s32 $0xFFFFE700  }
0x19: {  	v4 =	vld.msk [tilespmem:s19+$0xFFFFFFF3 ss:$0x0], $0xffff;
	_ =	sdelay $0x4  }
0x1a: {  	s18 =	simm.s32 $0x19D0;
	v4 =	vadd.s32 v1, v4  }
0x1b: {  	[tilespmem:s18+$0xFFFFFF30] =	vst v4  }
0x1c: {  	v4 =	vld [tilespmem:s19+$0xFFFFFFF4];
	_ =	sdelay $0x4  }
0x1d: {  	(v2sf) =	vpush v4, $0x0;
	_ =	sdelay $0xe  }
0x1e: {  	s20 =	spop (v2sf)  }
0x1f: {  	s20 =	sadd.s32 $0x186A00, s20  }
0x20: {  	v4 =	vadd.s32 s20, v1  }
0x21: {  	[tilespmem:s18+$0xFFFFFF40] =	vst v4  }
0x22: {  	v4 =	vld [tilespmem:s19+$0xFFFFFFF5];
	_ =	sdelay $0x4  }
0x23: {  	(v2sf) =	vpush v4, $0x0;
	_ =	sdelay $0xe  }
0x24: {  	s28 =	spop (v2sf)  }
0x25: {  	s20 =	sadd.s32 $0x30D400, s28  }
0x26: {  	v4 =	vadd.s32 s20, v1  }
0x27: {  	[tilespmem:s18+$0xFFFFFF50] =	vst v4  }
0x28: {  	v4 =	vld [tilespmem:s19+$0xFFFFFFF6];
	_ =	sdelay $0x4  }
0x29: {  	(v2sf) =	vpush v4, $0x0;
	_ =	sdelay $0xe  }
0x2a: {  	s29 =	spop (v2sf)  }
0x2b: {  	s20 =	sadd.s32 $0x493E00, s29  }
0x2c: {  	v4 =	vadd.s32 s20, v1  }
0x2d: {  	[tilespmem:s18+$0xFFFFFF60] =	vst v4  }
0x2e: {  	v4 =	vld [tilespmem:s19+$0xFFFFFFF7];
	_ =	sdelay $0x4  }
0x2f: {  	(v2sf) =	vpush v4, $0x0;
	_ =	sdelay $0xe  }
0x30: {  	s30 =	spop (v2sf)  }
0x31: {  	s20 =	sadd.s32 $0x61A800, s30  }
0x32: {  	v4 =	vadd.s32 s20, v1  }
0x33: {  	[tilespmem:s18+$0xFFFFFF70] =	vst v4  }
0x34: {  	v4 =	vld [tilespmem:s19+$0xFFFFFFF8];
	_ =	sdelay $0x4  }
0x35: {  	(v2sf) =	vpush v4, $0x0;
	_ =	sdelay $0xe  }
0x36: {  	s31 =	spop (v2sf)  }
0x37: {  	s20 =	sadd.s32 $0x7A1200, s31  }
0x38: {  	v4 =	vadd.s32 s20, v1  }
0x39: {  	[tilespmem:s18+$0xFFFFFF80] =	vst v4  }
0x3a: {  	v4 =	vld [tilespmem:s19+$0xFFFFFFF9];
	_ =	sdelay $0x4  }
0x3b: {  	(v2sf) =	vpush v4, $0x0;
	_ =	sdelay $0xe  }
0x3c: {  	s21 =	spop (v2sf)  }
0x3d: {  	s20 =	sadd.s32 $0x927C00, s21  }
0x3e: {  	v4 =	vadd.s32 s20, v1  }
0x3f: {  	[tilespmem:s18+$0xFFFFFF90] =	vst v4  }
0x40: {  	v4 =	vld [tilespmem:s19+$0xFFFFFFFA];
	_ =	sdelay $0x4  }
0x41: {  	(v2sf) =	vpush v4, $0x0;
	_ =	sdelay $0xe  }
0x42: {  	s22 =	spop (v2sf)  }
0x43: {  	s20 =	sadd.s32 $0xAAE600, s22  }
0x44: {  	v4 =	vadd.s32 s20, v1  }
0x45: {  	s20 =	sand.u32 $0x1FFC, s17;
	[tilespmem:s18+$0xFFFFFFA0] =	vst v4  }
0x46: {  	v4 =	vld [tilespmem:s20+$0x8];
	_ =	sdelay $0x4  }
0x47: {  	(v2sf) =	vpush v4, $0x0;
	_ =	sdelay $0xe  }
0x48: {  	s21 =	spop (v2sf)  }
0x49: {  	s21 =	sadd.s32 $0xC35000, s21  }
0x4a: {  	v4 =	vadd.s32 s21, v1  }
0x4b: {  	[tilespmem:s18+$0xFFFFFFB0] =	vst v4  }
0x4c: {  	v4 =	vld [tilespmem:s19+$0xFFFFFFFC];
	_ =	sdelay $0x4  }
0x4d: {  	(v2sf) =	vpush v4, $0x0;
	_ =	sdelay $0xe  }
0x4e: {  	s23 =	spop (v2sf)  }
0x4f: {  	s21 =	sadd.s32 $0xDBBA00, s23  }
0x50: {  	v4 =	vadd.s32 s21, v1  }
0x51: {  	[tilespmem:s18+$0xFFFFFFC0] =	vst v4  }
0x52: {  	v4 =	vld [tilespmem:s19+$0xFFFFFFFD];
	_ =	sdelay $0x4  }
0x53: {  	(v2sf) =	vpush v4, $0x0;
	_ =	sdelay $0xe  }
0x54: {  	s24 =	spop (v2sf)  }
0x55: {  	s21 =	sadd.s32 $0xF42400, s24  }
0x56: {  	v4 =	vadd.s32 s21, v1  }
0x57: {  	[tilespmem:s18+$0xFFFFFFD0] =	vst v4  }
0x58: {  	v4 =	vld [tilespmem:s19+$0xFFFFFFFE];
	_ =	sdelay $0x4  }
0x59: {  	(v2sf) =	vpush v4, $0x0;
	_ =	sdelay $0xe  }
0x5a: {  	s25 =	spop (v2sf)  }
0x5b: {  	s21 =	sadd.s32 $0x10C8E00, s25  }
0x5c: {  	v4 =	vadd.s32 s21, v1  }
0x5d: {  	[tilespmem:s18+$0xFFFFFFE0] =	vst v4  }
0x5e: {  	v4 =	vld [tilespmem:s19+$0xFFFFFFFF];
	_ =	sdelay $0x4  }
0x5f: {  	(v2sf) =	vpush v4, $0x0;
	_ =	sdelay $0xe  }
0x60: {  	s26 =	spop (v2sf)  }
0x61: {  	s21 =	sadd.s32 $0x124F800, s26  }
0x62: {  	v4 =	vadd.s32 s21, v1  }
0x63: {  	[tilespmem:s18+$0xFFFFFFF0] =	vst v4  }
0x64: {  	v4 =	vld [tilespmem:s19+$0x0];
	_ =	sdelay $0x4  }
0x65: {  	(v2sf) =	vpush v4, $0x0;
	_ =	sdelay $0xe  }
0x66: {  	s28 =	spop (v2sf)  }
0x67: {  	s21 =	sadd.s32 $0x13D6200, s28  }
0x68: {  	v4 =	vadd.s32 s21, v1  }
0x69: {  	[tilespmem:s18+$0x0] =	vst v4  }
0x6a: {  	v4 =	vld [tilespmem:s19+$0x1];
	_ =	sdelay $0x4  }
0x6b: {  	(v2sf) =	vpush v4, $0x0;
	_ =	sdelay $0xe  }
0x6c: {  	s29 =	spop (v2sf)  }
0x6d: {  	s21 =	sadd.s32 $0x155CC00, s29  }
0x6e: {  	v4 =	vadd.s32 s21, v1  }
0x6f: {  	[tilespmem:s18+$0x10] =	vst v4  }
0x70: {  	v4 =	vld [tilespmem:s19+$0x2];
	_ =	sdelay $0x4  }
0x71: {  	(v2sf) =	vpush v4, $0x0;
	_ =	sdelay $0xe  }
0x72: {  	s30 =	spop (v2sf)  }
0x73: {  	s21 =	sadd.s32 $0x16E3600, s30  }
0x74: {  	v4 =	vadd.s32 s21, v1  }
0x75: {  	[tilespmem:s18+$0x20] =	vst v4  }
0x76: {  	v4 =	vld [tilespmem:s20+$0x10];
	_ =	sdelay $0x4  }
0x77: {  	(v2sf) =	vpush v4, $0x0;
	_ =	sdelay $0xe  }
0x78: {  	s31 =	spop (v2sf)  }
0x79: {  	s21 =	sadd.s32 $0x186A000, s31  }
0x7a: {  	v4 =	vadd.s32 s21, v1  }
0x7b: {  	[tilespmem:s18+$0x30] =	vst v4  }
0x7c: {  	v4 =	vld [tilespmem:s19+$0x4];
	_ =	sdelay $0x4  }
0x7d: {  	(v2sf) =	vpush v4, $0x0;
	_ =	sdelay $0xe  }
0x7e: {  	s22 =	spop (v2sf)  }
0x7f: {  	s21 =	sadd.s32 $0x19F0A00, s22  }
0x80: {  	v4 =	vadd.s32 s21, v1  }
0x81: {  	[tilespmem:s18+$0x40] =	vst v4  }
0x82: {  	v4 =	vld [tilespmem:s19+$0x5];
	_ =	sdelay $0x4  }
0x83: {  	(v2sf) =	vpush v4, $0x0;
	_ =	sdelay $0xe  }
0x84: {  	s23 =	spop (v2sf)  }
0x85: {  	s21 =	sadd.s32 $0x1B77400, s23  }
0x86: {  	v4 =	vadd.s32 s21, v1  }
0x87: {  	[tilespmem:s18+$0x50] =	vst v4  }
0x88: {  	v4 =	vld [tilespmem:s19+$0x6];
	_ =	sdelay $0x4  }
0x89: {  	(v2sf) =	vpush v4, $0x0;
	_ =	sdelay $0xe  }
0x8a: {  	s24 =	spop (v2sf)  }
0x8b: {  	s21 =	sadd.s32 $0x1CFDE00, s24  }
0x8c: {  	v4 =	vadd.s32 s21, v1  }
0x8d: {  	[tilespmem:s18+$0x60] =	vst v4  }
0x8e: {  	v4 =	vld [tilespmem:s19+$0x7];
	_ =	sdelay $0x4  }
0x8f: {  	(v2sf) =	vpush v4, $0x0;
	_ =	sdelay $0xe  }
0x90: {  	s25 =	spop (v2sf)  }
0x91: {  	s21 =	sadd.s32 $0x1E84800, s25  }
0x92: {  	v4 =	vadd.s32 s21, v1  }
0x93: {  	[tilespmem:s18+$0x70] =	vst v4  }
0x94: {  	v4 =	vld [tilespmem:s19+$0x8];
	_ =	sdelay $0x4  }
0x95: {  	(v2sf) =	vpush v4, $0x0;
	_ =	sdelay $0xe  }
0x96: {  	s26 =	spop (v2sf)  }
0x97: {  	s21 =	sadd.s32 $0x200B200, s26  }
0x98: {  	v4 =	vadd.s32 s21, v1  }
0x99: {  	[tilespmem:s18+$0x80] =	vst v4  }
0x9a: {  	v4 =	vld [tilespmem:s19+$0x9];
	_ =	sdelay $0x4  }
0x9b: {  	(v2sf) =	vpush v4, $0x0;
	_ =	sdelay $0xe  }
0x9c: {  	s28 =	spop (v2sf)  }
0x9d: {  	s21 =	sadd.s32 $0x2191C00, s28  }
0x9e: {  	v4 =	vadd.s32 s21, v1  }
0x9f: {  	[tilespmem:s18+$0x90] =	vst v4  }
0xa0: {  	v4 =	vld [tilespmem:s19+$0xA];
	_ =	sdelay $0x4  }
0xa1: {  	(v2sf) =	vpush v4, $0x0;
	_ =	sdelay $0xe  }
0xa2: {  	s29 =	spop (v2sf)  }
0xa3: {  	s21 =	sadd.s32 $0x2318600, s29  }
0xa4: {  	v4 =	vadd.s32 s21, v1  }
0xa5: {  	[tilespmem:s18+$0xA0] =	vst v4  }
0xa6: {  	v4 =	vld [tilespmem:s20+$0x18];
	_ =	sdelay $0x4  }
0xa7: {  	(v2sf) =	vpush v4, $0x0;
	_ =	sdelay $0xe  }
0xa8: {  	s30 =	spop (v2sf)  }
0xa9: {  	s20 =	sadd.s32 $0x249F000, s30  }
0xaa: {  	v4 =	vadd.s32 s20, v1  }
0xab: {  	[tilespmem:s18+$0xB0] =	vst v4  }
0xac: {  	v4 =	vld [tilespmem:s19+$0xC];
	_ =	sdelay $0x4  }
0xad: {  	(v2sf) =	vpush v4, $0x0;
	_ =	sdelay $0xe  }
0xae: {  	s31 =	spop (v2sf)  }
0xaf: {  	s19 =	sadd.s32 $0x2625A00, s31  }
0xb0: {  	v4 =	vadd.s32 s19, v1  }
0xb1: {  	s19 =	simm.s32 $0x71;
	[tilespmem:s18+$0xC0] =	vst v4  }
0xb2: {  	s21 =	simm.s32 $0xC8;
	s20 =	simm.s32 $0x64;
	v4 =	vld.msk [tilespmem:s19+$0xFFFFFFF3 ss:$0x0], $0xffff  }
.LBB2_3:
0xb3: {  	p0 =	sne.s32 s21, $0x189C;
	_ =	sdelay $0x4  }
0xb4: {  	s18 =	sadd.s32 $0x1A0, s18;
	v4 =	vadd.s32 v1, v4  }
0xb5: {  	[tilespmem:s18+$0xFFFFFF30] =	vst v4  }
0xb6: {  	v4 =	vld [tilespmem:s19+$0xFFFFFFF4];
	_ =	sdelay $0x4  }
0xb7: {  	(v2sf) =	vpush v4, $0x0;
	_ =	sdelay $0xe  }
0xb8: {  	s22 =	spop (v2sf)  }
0xb9: {  	s22 =	sadd.s32 $0x186A00, s22  }
0xba: {  	v4 =	vadd.s32 s22, v1  }
0xbb: {  	[tilespmem:s18+$0xFFFFFF40] =	vst v4  }
0xbc: {  	v4 =	vld [tilespmem:s19+$0xFFFFFFF5];
	_ =	sdelay $0x4  }
0xbd: {  	(v2sf) =	vpush v4, $0x0;
	_ =	sdelay $0xe  }
0xbe: {  	s22 =	spop (v2sf)  }
0xbf: {  	s22 =	sadd.s32 $0x30D400, s22  }
0xc0: {  	v4 =	vadd.s32 s22, v1  }
0xc1: {  	[tilespmem:s18+$0xFFFFFF50] =	vst v4  }
0xc2: {  	v4 =	vld [tilespmem:s19+$0xFFFFFFF6];
	_ =	sdelay $0x4  }
0xc3: {  	(v2sf) =	vpush v4, $0x0;
	_ =	sdelay $0xe  }
0xc4: {  	s22 =	spop (v2sf)  }
0xc5: {  	s22 =	sadd.s32 $0x493E00, s22  }
0xc6: {  	v4 =	vadd.s32 s22, v1  }
0xc7: {  	[tilespmem:s18+$0xFFFFFF60] =	vst v4  }
0xc8: {  	v4 =	vld [tilespmem:s19+$0xFFFFFFF7];
	_ =	sdelay $0x4  }
0xc9: {  	(v2sf) =	vpush v4, $0x0;
	_ =	sdelay $0xe  }
0xca: {  	s22 =	spop (v2sf)  }
0xcb: {  	s22 =	sadd.s32 $0x61A800, s22  }
0xcc: {  	v4 =	vadd.s32 s22, v1  }
0xcd: {  	[tilespmem:s18+$0xFFFFFF70] =	vst v4  }
0xce: {  	v4 =	vld [tilespmem:s19+$0xFFFFFFF8];
	_ =	sdelay $0x4  }
0xcf: {  	(v2sf) =	vpush v4, $0x0;
	_ =	sdelay $0xe  }
0xd0: {  	s22 =	spop (v2sf)  }
0xd1: {  	s22 =	sadd.s32 $0x7A1200, s22  }
0xd2: {  	v4 =	vadd.s32 s22, v1  }
0xd3: {  	[tilespmem:s18+$0xFFFFFF80] =	vst v4  }
0xd4: {  	v4 =	vld [tilespmem:s19+$0xFFFFFFF9];
	_ =	sdelay $0x4  }
0xd5: {  	(v2sf) =	vpush v4, $0x0;
	_ =	sdelay $0xe  }
0xd6: {  	s22 =	spop (v2sf)  }
0xd7: {  	s22 =	sadd.s32 $0x927C00, s22  }
0xd8: {  	v4 =	vadd.s32 s22, v1  }
0xd9: {  	[tilespmem:s18+$0xFFFFFF90] =	vst v4  }
0xda: {  	v4 =	vld [tilespmem:s19+$0xFFFFFFFA];
	_ =	sdelay $0x4  }
0xdb: {  	(v2sf) =	vpush v4, $0x0;
	_ =	sdelay $0xe  }
0xdc: {  	s22 =	spop (v2sf)  }
0xdd: {  	s22 =	sadd.s32 $0xAAE600, s22  }
0xde: {  	v4 =	vadd.s32 s22, v1  }
0xdf: {  	s22 =	sand.u32 $0x1FFC, s20;
	s20 =	smov.u32 s21;
	[tilespmem:s18+$0xFFFFFFA0] =	vst v4  }
0xe0: {  	v4 =	vld [tilespmem:s22+$0x8];
	_ =	sdelay $0x4  }
0xe1: {  	(v2sf) =	vpush v4, $0x0;
	_ =	sdelay $0xe  }
0xe2: {  	s23 =	spop (v2sf)  }
0xe3: {  	s23 =	sadd.s32 $0xC35000, s23  }
0xe4: {  	v4 =	vadd.s32 s23, v1  }
0xe5: {  	[tilespmem:s18+$0xFFFFFFB0] =	vst v4  }
0xe6: {  	v4 =	vld [tilespmem:s19+$0xFFFFFFFC];
	_ =	sdelay $0x4  }
0xe7: {  	(v2sf) =	vpush v4, $0x0;
	_ =	sdelay $0xe  }
0xe8: {  	s23 =	spop (v2sf)  }
0xe9: {  	s23 =	sadd.s32 $0xDBBA00, s23  }
0xea: {  	v4 =	vadd.s32 s23, v1  }
0xeb: {  	[tilespmem:s18+$0xFFFFFFC0] =	vst v4  }
0xec: {  	v4 =	vld [tilespmem:s19+$0xFFFFFFFD];
	_ =	sdelay $0x4  }
0xed: {  	(v2sf) =	vpush v4, $0x0;
	_ =	sdelay $0xe  }
0xee: {  	s23 =	spop (v2sf)  }
0xef: {  	s23 =	sadd.s32 $0xF42400, s23  }
0xf0: {  	v4 =	vadd.s32 s23, v1  }
0xf1: {  	[tilespmem:s18+$0xFFFFFFD0] =	vst v4  }
0xf2: {  	v4 =	vld [tilespmem:s19+$0xFFFFFFFE];
	_ =	sdelay $0x4  }
0xf3: {  	(v2sf) =	vpush v4, $0x0;
	_ =	sdelay $0xe  }
0xf4: {  	s23 =	spop (v2sf)  }
0xf5: {  	s23 =	sadd.s32 $0x10C8E00, s23  }
0xf6: {  	v4 =	vadd.s32 s23, v1  }
0xf7: {  	[tilespmem:s18+$0xFFFFFFE0] =	vst v4  }
0xf8: {  	v4 =	vld [tilespmem:s19+$0xFFFFFFFF];
	_ =	sdelay $0x4  }
0xf9: {  	(v2sf) =	vpush v4, $0x0;
	_ =	sdelay $0xe  }
0xfa: {  	s23 =	spop (v2sf)  }
0xfb: {  	s23 =	sadd.s32 $0x124F800, s23  }
0xfc: {  	v4 =	vadd.s32 s23, v1  }
0xfd: {  	[tilespmem:s18+$0xFFFFFFF0] =	vst v4  }
0xfe: {  	v4 =	vld [tilespmem:s19+$0x0];
	_ =	sdelay $0x4  }
0xff: {  	(v2sf) =	vpush v4, $0x0;
	_ =	sdelay $0xe  }
0x100: {  	s23 =	spop (v2sf)  }
0x101: {  	s23 =	sadd.s32 $0x13D6200, s23  }
0x102: {  	v4 =	vadd.s32 s23, v1  }
0x103: {  	[tilespmem:s18+$0x0] =	vst v4  }
0x104: {  	v4 =	vld [tilespmem:s19+$0x1];
	_ =	sdelay $0x4  }
0x105: {  	(v2sf) =	vpush v4, $0x0;
	_ =	sdelay $0xe  }
0x106: {  	s23 =	spop (v2sf)  }
0x107: {  	s23 =	sadd.s32 $0x155CC00, s23  }
0x108: {  	v4 =	vadd.s32 s23, v1  }
0x109: {  	[tilespmem:s18+$0x10] =	vst v4  }
0x10a: {  	v4 =	vld [tilespmem:s19+$0x2];
	_ =	sdelay $0x4  }
0x10b: {  	(v2sf) =	vpush v4, $0x0;
	_ =	sdelay $0xe  }
0x10c: {  	s23 =	spop (v2sf)  }
0x10d: {  	s23 =	sadd.s32 $0x16E3600, s23  }
0x10e: {  	v4 =	vadd.s32 s23, v1  }
0x10f: {  	[tilespmem:s18+$0x20] =	vst v4  }
0x110: {  	v4 =	vld [tilespmem:s22+$0x10];
	_ =	sdelay $0x4  }
0x111: {  	(v2sf) =	vpush v4, $0x0;
	_ =	sdelay $0xe  }
0x112: {  	s23 =	spop (v2sf)  }
0x113: {  	s23 =	sadd.s32 $0x186A000, s23  }
0x114: {  	v4 =	vadd.s32 s23, v1  }
0x115: {  	[tilespmem:s18+$0x30] =	vst v4  }
0x116: {  	v4 =	vld [tilespmem:s19+$0x4];
	_ =	sdelay $0x4  }
0x117: {  	(v2sf) =	vpush v4, $0x0;
	_ =	sdelay $0xe  }
0x118: {  	s23 =	spop (v2sf)  }
0x119: {  	s23 =	sadd.s32 $0x19F0A00, s23  }
0x11a: {  	v4 =	vadd.s32 s23, v1  }
0x11b: {  	[tilespmem:s18+$0x40] =	vst v4  }
0x11c: {  	v4 =	vld [tilespmem:s19+$0x5];
	_ =	sdelay $0x4  }
0x11d: {  	(v2sf) =	vpush v4, $0x0;
	_ =	sdelay $0xe  }
0x11e: {  	s23 =	spop (v2sf)  }
0x11f: {  	s23 =	sadd.s32 $0x1B77400, s23  }
0x120: {  	v4 =	vadd.s32 s23, v1  }
0x121: {  	[tilespmem:s18+$0x50] =	vst v4  }
0x122: {  	v4 =	vld [tilespmem:s19+$0x6];
	_ =	sdelay $0x4  }
0x123: {  	(v2sf) =	vpush v4, $0x0;
	_ =	sdelay $0xe  }
0x124: {  	s23 =	spop (v2sf)  }
0x125: {  	s23 =	sadd.s32 $0x1CFDE00, s23  }
0x126: {  	v4 =	vadd.s32 s23, v1  }
0x127: {  	[tilespmem:s18+$0x60] =	vst v4  }
0x128: {  	v4 =	vld [tilespmem:s19+$0x7];
	_ =	sdelay $0x4  }
0x129: {  	(v2sf) =	vpush v4, $0x0;
	_ =	sdelay $0xe  }
0x12a: {  	s23 =	spop (v2sf)  }
0x12b: {  	s23 =	sadd.s32 $0x1E84800, s23  }
0x12c: {  	v4 =	vadd.s32 s23, v1  }
0x12d: {  	[tilespmem:s18+$0x70] =	vst v4  }
0x12e: {  	v4 =	vld [tilespmem:s19+$0x8];
	_ =	sdelay $0x4  }
0x12f: {  	(v2sf) =	vpush v4, $0x0;
	_ =	sdelay $0xe  }
0x130: {  	s23 =	spop (v2sf)  }
0x131: {  	s23 =	sadd.s32 $0x200B200, s23  }
0x132: {  	v4 =	vadd.s32 s23, v1  }
0x133: {  	[tilespmem:s18+$0x80] =	vst v4  }
0x134: {  	v4 =	vld [tilespmem:s19+$0x9];
	_ =	sdelay $0x4  }
0x135: {  	(v2sf) =	vpush v4, $0x0;
	_ =	sdelay $0xe  }
0x136: {  	s23 =	spop (v2sf)  }
0x137: {  	s23 =	sadd.s32 $0x2191C00, s23  }
0x138: {  	v4 =	vadd.s32 s23, v1  }
0x139: {  	[tilespmem:s18+$0x90] =	vst v4  }
0x13a: {  	v4 =	vld [tilespmem:s19+$0xA];
	_ =	sdelay $0x4  }
0x13b: {  	(v2sf) =	vpush v4, $0x0;
	_ =	sdelay $0xe  }
0x13c: {  	s23 =	spop (v2sf)  }
0x13d: {  	s23 =	sadd.s32 $0x2318600, s23  }
0x13e: {  	v4 =	vadd.s32 s23, v1  }
0x13f: {  	[tilespmem:s18+$0xA0] =	vst v4  }
0x140: {  	v4 =	vld [tilespmem:s22+$0x18];
	_ =	sdelay $0x4  }
0x141: {  	(v2sf) =	vpush v4, $0x0;
	_ =	sdelay $0xe  }
0x142: {  	s22 =	spop (v2sf)  }
0x143: {  	s22 =	sadd.s32 $0x249F000, s22  }
0x144: {  	v4 =	vadd.s32 s22, v1  }
0x145: {  	[tilespmem:s18+$0xB0] =	vst v4  }
0x146: {  	v4 =	vld [tilespmem:s19+$0xC];
	_ =	sdelay $0x4  }
0x147: {  	(v2sf) =	vpush v4, $0x0;
	_ =	sdelay $0xe  }
.Ltmp2:
0x148: {  	s22 =	spop (v2sf);
	(pc) =	sbr.rel @p0 .LBB2_3-.Ltmp2, $4  }
0x149: {  	s22 =	sadd.s32 $0x2625A00, s22  }
0x14a: {  	v4 =	vadd.s32 s22, v1  }
0x14b: {  	s19 =	sadd.s32 $0x64, s19;
	[tilespmem:s18+$0xC0] =	vst v4  }
0x14c: {  	s21 =	sadd.s32 $0x64, s21;
	v4 =	vld.msk [tilespmem:s19+$0xFFFFFFF3 ss:$0x0], $0xffff  }
0x14d: {  	_ =	sdelay $0x3  }
0x14e: {  	s18 =	sadd.s32 $0x1A0, s18;
	v4 =	vadd.s32 v1, v4  }
0x14f: {  	[tilespmem:s18+$0xFFFFFF30] =	vst v4  }
0x150: {  	v4 =	vld [tilespmem:s19+$0xFFFFFFF4];
	_ =	sdelay $0x4  }
0x151: {  	(v2sf) =	vpush v4, $0x0;
	_ =	sdelay $0xe  }
0x152: {  	s21 =	spop (v2sf)  }
0x153: {  	s21 =	sadd.s32 $0x186A00, s21  }
0x154: {  	v4 =	vadd.s32 s21, v1  }
0x155: {  	[tilespmem:s18+$0xFFFFFF40] =	vst v4  }
0x156: {  	v4 =	vld [tilespmem:s19+$0xFFFFFFF5];
	_ =	sdelay $0x4  }
0x157: {  	(v2sf) =	vpush v4, $0x0;
	_ =	sdelay $0xe  }
0x158: {  	s25 =	spop (v2sf)  }
0x159: {  	s21 =	sadd.s32 $0x30D400, s25  }
0x15a: {  	v4 =	vadd.s32 s21, v1  }
0x15b: {  	[tilespmem:s18+$0xFFFFFF50] =	vst v4  }
0x15c: {  	v4 =	vld [tilespmem:s19+$0xFFFFFFF6];
	_ =	sdelay $0x4  }
0x15d: {  	(v2sf) =	vpush v4, $0x0;
	_ =	sdelay $0xe  }
0x15e: {  	s26 =	spop (v2sf)  }
0x15f: {  	s21 =	sadd.s32 $0x493E00, s26  }
0x160: {  	v4 =	vadd.s32 s21, v1  }
0x161: {  	[tilespmem:s18+$0xFFFFFF60] =	vst v4  }
0x162: {  	v4 =	vld [tilespmem:s19+$0xFFFFFFF7];
	_ =	sdelay $0x4  }
0x163: {  	(v2sf) =	vpush v4, $0x0;
	_ =	sdelay $0xe  }
0x164: {  	s28 =	spop (v2sf)  }
0x165: {  	s21 =	sadd.s32 $0x61A800, s28  }
0x166: {  	v4 =	vadd.s32 s21, v1  }
0x167: {  	[tilespmem:s18+$0xFFFFFF70] =	vst v4  }
0x168: {  	v4 =	vld [tilespmem:s19+$0xFFFFFFF8];
	_ =	sdelay $0x4  }
0x169: {  	(v2sf) =	vpush v4, $0x0;
	_ =	sdelay $0xe  }
0x16a: {  	s29 =	spop (v2sf)  }
0x16b: {  	s21 =	sadd.s32 $0x7A1200, s29  }
0x16c: {  	v4 =	vadd.s32 s21, v1  }
0x16d: {  	[tilespmem:s18+$0xFFFFFF80] =	vst v4  }
0x16e: {  	v4 =	vld [tilespmem:s19+$0xFFFFFFF9];
	_ =	sdelay $0x4  }
0x16f: {  	(v2sf) =	vpush v4, $0x0;
	_ =	sdelay $0xe  }
0x170: {  	s30 =	spop (v2sf)  }
0x171: {  	s21 =	sadd.s32 $0x927C00, s30  }
0x172: {  	v4 =	vadd.s32 s21, v1  }
0x173: {  	[tilespmem:s18+$0xFFFFFF90] =	vst v4  }
0x174: {  	v4 =	vld [tilespmem:s19+$0xFFFFFFFA];
	_ =	sdelay $0x4  }
0x175: {  	(v2sf) =	vpush v4, $0x0;
	_ =	sdelay $0xe  }
0x176: {  	s31 =	spop (v2sf)  }
0x177: {  	s21 =	sadd.s32 $0xAAE600, s31  }
0x178: {  	v4 =	vadd.s32 s21, v1  }
0x179: {  	s20 =	sand.u32 $0x1FFC, s20;
	[tilespmem:s18+$0xFFFFFFA0] =	vst v4  }
0x17a: {  	v4 =	vld [tilespmem:s20+$0x8];
	_ =	sdelay $0x4  }
0x17b: {  	(v2sf) =	vpush v4, $0x0;
	_ =	sdelay $0xe  }
0x17c: {  	s22 =	spop (v2sf)  }
0x17d: {  	s21 =	sadd.s32 $0xC35000, s22  }
0x17e: {  	v4 =	vadd.s32 s21, v1  }
0x17f: {  	[tilespmem:s18+$0xFFFFFFB0] =	vst v4  }
0x180: {  	v4 =	vld [tilespmem:s19+$0xFFFFFFFC];
	_ =	sdelay $0x4  }
0x181: {  	(v2sf) =	vpush v4, $0x0;
	_ =	sdelay $0xe  }
0x182: {  	s23 =	spop (v2sf)  }
0x183: {  	s21 =	sadd.s32 $0xDBBA00, s23  }
0x184: {  	v4 =	vadd.s32 s21, v1  }
0x185: {  	[tilespmem:s18+$0xFFFFFFC0] =	vst v4  }
0x186: {  	v4 =	vld [tilespmem:s19+$0xFFFFFFFD];
	_ =	sdelay $0x4  }
0x187: {  	(v2sf) =	vpush v4, $0x0;
	_ =	sdelay $0xe  }
0x188: {  	s24 =	spop (v2sf)  }
0x189: {  	s21 =	sadd.s32 $0xF42400, s24  }
0x18a: {  	v4 =	vadd.s32 s21, v1  }
0x18b: {  	[tilespmem:s18+$0xFFFFFFD0] =	vst v4  }
0x18c: {  	v4 =	vld [tilespmem:s19+$0xFFFFFFFE];
	_ =	sdelay $0x4  }
0x18d: {  	(v2sf) =	vpush v4, $0x0;
	_ =	sdelay $0xe  }
0x18e: {  	s25 =	spop (v2sf)  }
0x18f: {  	s21 =	sadd.s32 $0x10C8E00, s25  }
0x190: {  	v4 =	vadd.s32 s21, v1  }
0x191: {  	[tilespmem:s18+$0xFFFFFFE0] =	vst v4  }
0x192: {  	v4 =	vld [tilespmem:s19+$0xFFFFFFFF];
	_ =	sdelay $0x4  }
0x193: {  	(v2sf) =	vpush v4, $0x0;
	_ =	sdelay $0xe  }
0x194: {  	s26 =	spop (v2sf)  }
0x195: {  	s21 =	sadd.s32 $0x124F800, s26  }
0x196: {  	v4 =	vadd.s32 s21, v1  }
0x197: {  	[tilespmem:s18+$0xFFFFFFF0] =	vst v4  }
0x198: {  	v4 =	vld [tilespmem:s19+$0x0];
	_ =	sdelay $0x4  }
0x199: {  	(v2sf) =	vpush v4, $0x0;
	_ =	sdelay $0xe  }
0x19a: {  	s28 =	spop (v2sf)  }
0x19b: {  	s21 =	sadd.s32 $0x13D6200, s28  }
0x19c: {  	v4 =	vadd.s32 s21, v1  }
0x19d: {  	[tilespmem:s18+$0x0] =	vst v4  }
0x19e: {  	v4 =	vld [tilespmem:s19+$0x1];
	_ =	sdelay $0x4  }
0x19f: {  	(v2sf) =	vpush v4, $0x0;
	_ =	sdelay $0xe  }
0x1a0: {  	s29 =	spop (v2sf)  }
0x1a1: {  	s21 =	sadd.s32 $0x155CC00, s29  }
0x1a2: {  	v4 =	vadd.s32 s21, v1  }
0x1a3: {  	[tilespmem:s18+$0x10] =	vst v4  }
0x1a4: {  	v4 =	vld [tilespmem:s19+$0x2];
	_ =	sdelay $0x4  }
0x1a5: {  	(v2sf) =	vpush v4, $0x0;
	_ =	sdelay $0xe  }
0x1a6: {  	s30 =	spop (v2sf)  }
0x1a7: {  	s21 =	sadd.s32 $0x16E3600, s30  }
0x1a8: {  	v4 =	vadd.s32 s21, v1  }
0x1a9: {  	[tilespmem:s18+$0x20] =	vst v4  }
0x1aa: {  	v4 =	vld [tilespmem:s20+$0x10];
	_ =	sdelay $0x4  }
0x1ab: {  	(v2sf) =	vpush v4, $0x0;
	_ =	sdelay $0xe  }
0x1ac: {  	s31 =	spop (v2sf)  }
0x1ad: {  	s21 =	sadd.s32 $0x186A000, s31  }
0x1ae: {  	v4 =	vadd.s32 s21, v1  }
0x1af: {  	[tilespmem:s18+$0x30] =	vst v4  }
0x1b0: {  	v4 =	vld [tilespmem:s19+$0x4];
	_ =	sdelay $0x4  }
0x1b1: {  	(v2sf) =	vpush v4, $0x0;
	_ =	sdelay $0xe  }
0x1b2: {  	s22 =	spop (v2sf)  }
0x1b3: {  	s21 =	sadd.s32 $0x19F0A00, s22  }
0x1b4: {  	v4 =	vadd.s32 s21, v1  }
0x1b5: {  	[tilespmem:s18+$0x40] =	vst v4  }
0x1b6: {  	v4 =	vld [tilespmem:s19+$0x5];
	_ =	sdelay $0x4  }
0x1b7: {  	(v2sf) =	vpush v4, $0x0;
	_ =	sdelay $0xe  }
0x1b8: {  	s23 =	spop (v2sf)  }
0x1b9: {  	s21 =	sadd.s32 $0x1B77400, s23  }
0x1ba: {  	v4 =	vadd.s32 s21, v1  }
0x1bb: {  	[tilespmem:s18+$0x50] =	vst v4  }
0x1bc: {  	v4 =	vld [tilespmem:s19+$0x6];
	_ =	sdelay $0x4  }
0x1bd: {  	(v2sf) =	vpush v4, $0x0;
	_ =	sdelay $0xe  }
0x1be: {  	s24 =	spop (v2sf)  }
0x1bf: {  	s21 =	sadd.s32 $0x1CFDE00, s24  }
0x1c0: {  	v4 =	vadd.s32 s21, v1  }
0x1c1: {  	[tilespmem:s18+$0x60] =	vst v4  }
0x1c2: {  	v4 =	vld [tilespmem:s19+$0x7];
	_ =	sdelay $0x4  }
0x1c3: {  	(v2sf) =	vpush v4, $0x0;
	_ =	sdelay $0xe  }
0x1c4: {  	s25 =	spop (v2sf)  }
0x1c5: {  	s21 =	sadd.s32 $0x1E84800, s25  }
0x1c6: {  	v4 =	vadd.s32 s21, v1  }
0x1c7: {  	[tilespmem:s18+$0x70] =	vst v4  }
0x1c8: {  	v4 =	vld [tilespmem:s19+$0x8];
	_ =	sdelay $0x4  }
0x1c9: {  	(v2sf) =	vpush v4, $0x0;
	_ =	sdelay $0xe  }
0x1ca: {  	s26 =	spop (v2sf)  }
0x1cb: {  	s21 =	sadd.s32 $0x200B200, s26  }
0x1cc: {  	v4 =	vadd.s32 s21, v1  }
0x1cd: {  	[tilespmem:s18+$0x80] =	vst v4  }
0x1ce: {  	v4 =	vld [tilespmem:s19+$0x9];
	_ =	sdelay $0x4  }
0x1cf: {  	(v2sf) =	vpush v4, $0x0;
	_ =	sdelay $0xe  }
0x1d0: {  	s28 =	spop (v2sf)  }
0x1d1: {  	s21 =	sadd.s32 $0x2191C00, s28  }
0x1d2: {  	v4 =	vadd.s32 s21, v1  }
0x1d3: {  	[tilespmem:s18+$0x90] =	vst v4  }
0x1d4: {  	v4 =	vld [tilespmem:s19+$0xA];
	_ =	sdelay $0x4  }
0x1d5: {  	(v2sf) =	vpush v4, $0x0;
	_ =	sdelay $0xe  }
0x1d6: {  	s29 =	spop (v2sf)  }
0x1d7: {  	s21 =	sadd.s32 $0x2318600, s29  }
0x1d8: {  	v4 =	vadd.s32 s21, v1  }
0x1d9: {  	[tilespmem:s18+$0xA0] =	vst v4  }
0x1da: {  	v4 =	vld [tilespmem:s20+$0x18];
	_ =	sdelay $0x4  }
0x1db: {  	(v2sf) =	vpush v4, $0x0;
	_ =	sdelay $0xe  }
0x1dc: {  	s30 =	spop (v2sf)  }
0x1dd: {  	s20 =	sadd.s32 $0x249F000, s30  }
0x1de: {  	v4 =	vadd.s32 s20, v1  }
0x1df: {  	[tilespmem:s18+$0xB0] =	vst v4  }
0x1e0: {  	v4 =	vld [tilespmem:s19+$0xC];
	_ =	sdelay $0x4  }
0x1e1: {  	(v2sf) =	vpush v4, $0x0  }
0x1e2: {  	v8 =	vor.u32 s17, v0  }
0x1e3: {  	v4 =	vshrl.u32 v8, $0x1  }
0x1e4: {  	v4 =	vmulhi.u32 $0xDD67C8A7, v4;
	_ =	sdelay $0x1  }
0x1e5: {  	v5 =	vshrl.u32 v4, $0x5  }
0x1e6: {  	v6 =	vmul.u32 $0xFFFFFFB6, v5  }
0x1e7: {  	v7 =	vmov s17;
	v9 =	vsub.s32 $0x0, v8;
	s20 =	simm.s32 $0x10  }
0x1e8: {  	vm0 =	veq.s32 v7, v0;
	v4 =	vor.u32 s20, v0;
	vm1 =	vne.s32 v6, v9  }
0x1e9: {  	v6 =	vshrl.u32 v4, $0x1;
	vm0 =	vmand vm0, vm1  }
0x1ea: {  	v6 =	vmulhi.u32 $0xDD67C8A7, v6;
	v7 =	vsel vm0, $0xFFFFFFFF, v2  }
0x1eb: {  	v9 =	vadd.s32 v7, v5  }
0x1ec: {  	v6 =	vshrl.u32 v6, $0x5;
	v5 =	vmul.u32 $0x1A, v9  }
0x1ed: {  	v7 =	vmov s20;
	v10 =	vmul.u32 $0xFFFFFFB6, v6  }
0x1ee: {  	vm14 =	veq.s32 v7, v0;
	v7 =	vsub.s32 $0x0, v4;
	v12 =	vadd.s32 s17, v5  }
0x1ef: {  	vm15 =	vne.s32 v10, v7;
	v7 =	vadd.s32 v3, v12;
	s31 =	spop (v2sf)  }
0x1f0: {  	s19 =	sadd.s32 $0x2625A00, s31  }
0x1f1: {  	v13 =	vmul.u32 $0xFFFFFFB6, v9;
	v11 =	vadd.s32 s19, v1;
	s19 =	simm.s32 $0x20  }
0x1f2: {  	v9 =	vmul.u32 $0x1F0, v9;
	vm0 =	vmand vm14, vm15;
	v5 =	vor.u32 s19, v0  }
0x1f3: {  	s17 =	simm.s32 $0x30;
	v8 =	vadd.s32 v8, v13;
	[tilespmem:s18+$0xC0] =	vst v11;
	v11 =	vsel vm0, $0xFFFFFFFF, v2;
	v10 =	vshrl.u32 v5, $0x1  }
.LBB2_5:
0x1f4: {  	p0 =	sne.s32 s17, $0x1270;
	v10 =	vmulhi.u32 $0xDD67C8A7, v10;
	v12 =	vadd.s32 v11, v6;
	v11 =	vld.idx.msk [tilespmem:v7+s2+$0x0], $0xffff;
	v6 =	vand.u32 $0xFFFFFFF8, v8;
	v13 =	vmovc v5  }
0x1f5: {  	v7 =	vand.u32 $0x7, v8;
	v5 =	vmul.u32 $0x1A, v12;
	v6 =	vadd.s32 v6, v9  }
0x1f6: {  	v7 =	vor.u32 v7, v6  }
0x1f7: {  	v6 =	vshrl.u32 v10, $0x5;
	v5 =	vadd.s32 s20, v5;
	v14 =	vadd.s32 $0x1A0, v7;
	s20 =	smov.u32 s19;
	s19 =	smov.u32 s17  }
.Ltmp3:
0x1f8: {  	v9 =	vmul.u32 $0xFFFFFFB6, v6;
	v8 =	vmov s20;
	v7 =	vadd.s32 v3, v5;
	(pc) =	sbr.rel @p0 .LBB2_5-.Ltmp3, $4  }
0x1f9: {  	v5 =	vor.u32 s17, v0;
	vm0 =	veq.s32 v8, v0;
	v8 =	vsub.s32 $0x0, v13  }
0x1fa: {  	v15 =	vcvt.s32.f32 v11;
	vm1 =	vne.s32 v9, v8;
	v8 =	vmul.u32 $0xFFFFFFB6, v12  }
0x1fb: {  	v10 =	vshrl.u32 v5, $0x1;
	vm0 =	vmand vm0, vm1  }
0x1fc: {  	s17 =	sadd.s32 $0x10, s17;
	v9 =	vmul.u32 $0x1F0, v12;
	v11 =	vsel vm0, $0xFFFFFFFF, v2;
	v8 =	vadd.s32 v4, v8;
	[tilespmem:v14+s9+$0x0] =	vst.idx.msk $0xffff, v15;
	v4 =	vmovc v13  }
0x1fd: {  	_ =	sdelay $0x2  }
0x1fe: {  	v10 =	vmulhi.u32 $0xDD67C8A7, v10;
	v6 =	vadd.s32 v11, v6;
	v52 =	vand.u32 $0xFFFFFFF8, v8  }
0x1ff: {  	v7 =	vld.idx.msk [tilespmem:v7+s2+$0x0], $0xffff;
	v53 =	vand.u32 $0x7, v8;
	v12 =	vmul.u32 $0x1A, v6;
	v9 =	vadd.s32 v52, v9  }
0x200: {  	v8 =	vor.u32 v53, v9;
	v54 =	vshrl.u32 v10, $0x5  }
0x201: {  	v55 =	vadd.s32 s20, v12;
	v8 =	vadd.s32 $0x1A0, v8;
	v56 =	vmul.u32 $0xFFFFFFB6, v54  }
0x202: {  	v57 =	vmov s19;
	v13 =	vsub.s32 $0x0, v5;
	v10 =	vadd.s32 v3, v55  }
0x203: {  	vm0 =	veq.s32 v57, v0;
	v58 =	vmul.u32 $0xFFFFFFB6, v6;
	vm1 =	vne.s32 v56, v13  }
0x204: {  	v7 =	vcvt.s32.f32 v7;
	vm0 =	vmand vm0, vm1  }
0x205: {  	v6 =	vmul.u32 $0x1F0, v6;
	v4 =	vadd.s32 v4, v58;
	v59 =	vsel vm0, $0xFFFFFFFF, v2  }
0x206: {  	v60 =	vand.u32 $0xFFFFFFF8, v4;
	[tilespmem:v8+s9+$0x0] =	vst.idx.msk $0xffff, v7;
	v7 =	vadd.s32 v59, v54  }
0x207: {  	v4 =	vand.u32 $0x7, v4;
	v6 =	vadd.s32 v60, v6;
	v61 =	vld.idx.msk [tilespmem:v10+s2+$0x0], $0xffff;
	v62 =	vmul.u32 $0x1A, v7  }
0x208: {  	v4 =	vor.u32 v4, v6  }
0x209: {  	v4 =	vadd.s32 $0x1A0, v4;
	v6 =	vadd.s32 s19, v62  }
0x20a: {  	v6 =	vadd.s32 v3, v6  }
0x20b: {  	v63 =	vmul.u32 $0xFFFFFFB6, v7  }
0x20c: {  	v9 =	vcvt.s32.f32 v61  }
0x20d: {  	v7 =	vmul.u32 $0x1F0, v7;
	v5 =	vadd.s32 v5, v63  }
0x20e: {  	[tilespmem:v4+s9+$0x0] =	vst.idx.msk $0xffff, v9;
	v4 =	vand.u32 $0xFFFFFFF8, v5  }
0x20f: {  	v5 =	vand.u32 $0x7, v5;
	v6 =	vld.idx.msk [tilespmem:v6+s2+$0x0], $0xffff;
	v4 =	vadd.s32 v4, v7  }
0x210: {  	v4 =	vor.u32 v5, v4  }
0x211: {  	v4 =	vadd.s32 $0x1A0, v4;
	_ =	sdelay $0x2  }
0x212: {  	v5 =	vcvt.s32.f32 v6;
	_ =	sdelay $0x1  }
0x213: {  	s17 =	sadd.s32 $0x320, s16;
	s16 =	simm.s32 $0x0;
	[tilespmem:v4+s9+$0x0] =	vst.idx.msk $0xffff, v5  }
0x214: {  	[tilespmem:s16], [sflag:$0x1] =	stream.linear.gather [hbm4b:s17+s16], $0x1900, $0x38;
	[tilespmem:$0x1E100] =	vst v63  }
0x215: {  	_ =	swait.ge [sflag:s8], $0x1900  }
0x216: {  	[sflag:s8] =	ssyncset.done $0x0  }
0x217: {  	s18 =	simm.s32 $0xD;
	[sflag:s8] =	ssyncadd.s32 $0xFFFFE700  }
0x218: {  	v4 =	vld.msk [tilespmem:s18+$0xFFFFFFF3 ss:$0x0], $0xffff;
	_ =	sdelay $0x4  }
0x219: {  	s17 =	simm.s32 $0x0;
	v4 =	vadd.s32 v1, v4  }
0x21a: {  	[tilespmem:s17+$0x8100] =	vst v4  }
0x21b: {  	v4 =	vld [tilespmem:s18+$0xFFFFFFF4];
	_ =	sdelay $0x4  }
0x21c: {  	(v2sf) =	vpush v4, $0x0;
	_ =	sdelay $0xe  }
0x21d: {  	s28 =	spop (v2sf)  }
0x21e: {  	s19 =	sadd.s32 $0x186A00, s28  }
0x21f: {  	v4 =	vadd.s32 s19, v1  }
0x220: {  	[tilespmem:s17+$0x8110] =	vst v4  }
0x221: {  	v4 =	vld [tilespmem:s18+$0xFFFFFFF5];
	_ =	sdelay $0x4  }
0x222: {  	(v2sf) =	vpush v4, $0x0;
	_ =	sdelay $0xe  }
0x223: {  	s29 =	spop (v2sf)  }
0x224: {  	s19 =	sadd.s32 $0x30D400, s29  }
0x225: {  	v4 =	vadd.s32 s19, v1  }
0x226: {  	[tilespmem:s17+$0x8120] =	vst v4  }
0x227: {  	v4 =	vld [tilespmem:s18+$0xFFFFFFF6];
	_ =	sdelay $0x4  }
0x228: {  	(v2sf) =	vpush v4, $0x0;
	_ =	sdelay $0xe  }
0x229: {  	s30 =	spop (v2sf)  }
0x22a: {  	s19 =	sadd.s32 $0x493E00, s30  }
0x22b: {  	v4 =	vadd.s32 s19, v1  }
0x22c: {  	[tilespmem:s17+$0x8130] =	vst v4  }
0x22d: {  	v4 =	vld [tilespmem:s18+$0xFFFFFFF7];
	_ =	sdelay $0x4  }
0x22e: {  	(v2sf) =	vpush v4, $0x0;
	_ =	sdelay $0xe  }
0x22f: {  	s31 =	spop (v2sf)  }
0x230: {  	s19 =	sadd.s32 $0x61A800, s31  }
0x231: {  	v4 =	vadd.s32 s19, v1  }
0x232: {  	[tilespmem:s17+$0x8140] =	vst v4  }
0x233: {  	v4 =	vld [tilespmem:s18+$0xFFFFFFF8];
	_ =	sdelay $0x4  }
0x234: {  	(v2sf) =	vpush v4, $0x0;
	_ =	sdelay $0xe  }
0x235: {  	s20 =	spop (v2sf)  }
0x236: {  	s19 =	sadd.s32 $0x7A1200, s20  }
0x237: {  	v4 =	vadd.s32 s19, v1  }
0x238: {  	[tilespmem:s17+$0x8150] =	vst v4  }
0x239: {  	v4 =	vld [tilespmem:s18+$0xFFFFFFF9];
	_ =	sdelay $0x4  }
0x23a: {  	(v2sf) =	vpush v4, $0x0;
	_ =	sdelay $0xe  }
0x23b: {  	s21 =	spop (v2sf)  }
0x23c: {  	s19 =	sadd.s32 $0x927C00, s21  }
0x23d: {  	v4 =	vadd.s32 s19, v1  }
0x23e: {  	[tilespmem:s17+$0x8160] =	vst v4  }
0x23f: {  	v4 =	vld [tilespmem:s18+$0xFFFFFFFA];
	_ =	sdelay $0x4  }
0x240: {  	(v2sf) =	vpush v4, $0x0;
	_ =	sdelay $0xe  }
0x241: {  	s22 =	spop (v2sf)  }
0x242: {  	s19 =	sadd.s32 $0xAAE600, s22  }
0x243: {  	v4 =	vadd.s32 s19, v1  }
0x244: {  	s19 =	sand.u32 $0x1FFC, s16;
	[tilespmem:s17+$0x8170] =	vst v4  }
0x245: {  	v4 =	vld [tilespmem:s19+$0x8];
	_ =	sdelay $0x4  }
0x246: {  	(v2sf) =	vpush v4, $0x0;
	_ =	sdelay $0xe  }
0x247: {  	s23 =	spop (v2sf)  }
0x248: {  	s20 =	sadd.s32 $0xC35000, s23  }
0x249: {  	v4 =	vadd.s32 s20, v1  }
0x24a: {  	[tilespmem:s17+$0x8180] =	vst v4  }
0x24b: {  	v4 =	vld [tilespmem:s18+$0xFFFFFFFC];
	_ =	sdelay $0x4  }
0x24c: {  	(v2sf) =	vpush v4, $0x0;
	_ =	sdelay $0xe  }
0x24d: {  	s24 =	spop (v2sf)  }
0x24e: {  	s20 =	sadd.s32 $0xDBBA00, s24  }
0x24f: {  	v4 =	vadd.s32 s20, v1  }
0x250: {  	[tilespmem:s17+$0x8190] =	vst v4  }
0x251: {  	v4 =	vld [tilespmem:s18+$0xFFFFFFFD];
	_ =	sdelay $0x4  }
0x252: {  	(v2sf) =	vpush v4, $0x0;
	_ =	sdelay $0xe  }
0x253: {  	s25 =	spop (v2sf)  }
0x254: {  	s20 =	sadd.s32 $0xF42400, s25  }
0x255: {  	v4 =	vadd.s32 s20, v1  }
0x256: {  	[tilespmem:s17+$0x81A0] =	vst v4  }
0x257: {  	v4 =	vld [tilespmem:s18+$0xFFFFFFFE];
	_ =	sdelay $0x4  }
0x258: {  	(v2sf) =	vpush v4, $0x0;
	_ =	sdelay $0xe  }
0x259: {  	s26 =	spop (v2sf)  }
0x25a: {  	s20 =	sadd.s32 $0x10C8E00, s26  }
0x25b: {  	v4 =	vadd.s32 s20, v1  }
0x25c: {  	[tilespmem:s17+$0x81B0] =	vst v4  }
0x25d: {  	v4 =	vld [tilespmem:s18+$0xFFFFFFFF];
	_ =	sdelay $0x4  }
0x25e: {  	(v2sf) =	vpush v4, $0x0;
	_ =	sdelay $0xe  }
0x25f: {  	s28 =	spop (v2sf)  }
0x260: {  	s20 =	sadd.s32 $0x124F800, s28  }
0x261: {  	v4 =	vadd.s32 s20, v1  }
0x262: {  	[tilespmem:s17+$0x81C0] =	vst v4  }
0x263: {  	v4 =	vld [tilespmem:s18+$0x0];
	_ =	sdelay $0x4  }
0x264: {  	(v2sf) =	vpush v4, $0x0;
	_ =	sdelay $0xe  }
0x265: {  	s29 =	spop (v2sf)  }
0x266: {  	s20 =	sadd.s32 $0x13D6200, s29  }
0x267: {  	v4 =	vadd.s32 s20, v1  }
0x268: {  	[tilespmem:s17+$0x81D0] =	vst v4  }
0x269: {  	v4 =	vld [tilespmem:s18+$0x1];
	_ =	sdelay $0x4  }
0x26a: {  	(v2sf) =	vpush v4, $0x0;
	_ =	sdelay $0xe  }
0x26b: {  	s30 =	spop (v2sf)  }
0x26c: {  	s20 =	sadd.s32 $0x155CC00, s30  }
0x26d: {  	v4 =	vadd.s32 s20, v1  }
0x26e: {  	[tilespmem:s17+$0x81E0] =	vst v4  }
0x26f: {  	v4 =	vld [tilespmem:s18+$0x2];
	_ =	sdelay $0x4  }
0x270: {  	(v2sf) =	vpush v4, $0x0;
	_ =	sdelay $0xe  }
0x271: {  	s31 =	spop (v2sf)  }
0x272: {  	s20 =	sadd.s32 $0x16E3600, s31  }
0x273: {  	v4 =	vadd.s32 s20, v1  }
0x274: {  	[tilespmem:s17+$0x81F0] =	vst v4  }
0x275: {  	v4 =	vld [tilespmem:s19+$0x10];
	_ =	sdelay $0x4  }
0x276: {  	(v2sf) =	vpush v4, $0x0;
	_ =	sdelay $0xe  }
0x277: {  	s21 =	spop (v2sf)  }
0x278: {  	s20 =	sadd.s32 $0x186A000, s21  }
0x279: {  	v4 =	vadd.s32 s20, v1  }
0x27a: {  	[tilespmem:s17+$0x8200] =	vst v4  }
0x27b: {  	v4 =	vld [tilespmem:s18+$0x4];
	_ =	sdelay $0x4  }
0x27c: {  	(v2sf) =	vpush v4, $0x0;
	_ =	sdelay $0xe  }
0x27d: {  	s22 =	spop (v2sf)  }
0x27e: {  	s20 =	sadd.s32 $0x19F0A00, s22  }
0x27f: {  	v4 =	vadd.s32 s20, v1  }
0x280: {  	[tilespmem:s17+$0x8210] =	vst v4  }
0x281: {  	v4 =	vld [tilespmem:s18+$0x5];
	_ =	sdelay $0x4  }
0x282: {  	(v2sf) =	vpush v4, $0x0;
	_ =	sdelay $0xe  }
0x283: {  	s23 =	spop (v2sf)  }
0x284: {  	s20 =	sadd.s32 $0x1B77400, s23  }
0x285: {  	v4 =	vadd.s32 s20, v1  }
0x286: {  	[tilespmem:s17+$0x8220] =	vst v4  }
0x287: {  	v4 =	vld [tilespmem:s18+$0x6];
	_ =	sdelay $0x4  }
0x288: {  	(v2sf) =	vpush v4, $0x0;
	_ =	sdelay $0xe  }
0x289: {  	s24 =	spop (v2sf)  }
0x28a: {  	s20 =	sadd.s32 $0x1CFDE00, s24  }
0x28b: {  	v4 =	vadd.s32 s20, v1  }
0x28c: {  	[tilespmem:s17+$0x8230] =	vst v4  }
0x28d: {  	v4 =	vld [tilespmem:s18+$0x7];
	_ =	sdelay $0x4  }
0x28e: {  	(v2sf) =	vpush v4, $0x0;
	_ =	sdelay $0xe  }
0x28f: {  	s25 =	spop (v2sf)  }
0x290: {  	s20 =	sadd.s32 $0x1E84800, s25  }
0x291: {  	v4 =	vadd.s32 s20, v1  }
0x292: {  	[tilespmem:s17+$0x8240] =	vst v4  }
0x293: {  	v4 =	vld [tilespmem:s18+$0x8];
	_ =	sdelay $0x4  }
0x294: {  	(v2sf) =	vpush v4, $0x0;
	_ =	sdelay $0xe  }
0x295: {  	s26 =	spop (v2sf)  }
0x296: {  	s20 =	sadd.s32 $0x200B200, s26  }
0x297: {  	v4 =	vadd.s32 s20, v1  }
0x298: {  	[tilespmem:s17+$0x8250] =	vst v4  }
0x299: {  	v4 =	vld [tilespmem:s18+$0x9];
	_ =	sdelay $0x4  }
0x29a: {  	(v2sf) =	vpush v4, $0x0;
	_ =	sdelay $0xe  }
0x29b: {  	s28 =	spop (v2sf)  }
0x29c: {  	s20 =	sadd.s32 $0x2191C00, s28  }
0x29d: {  	v4 =	vadd.s32 s20, v1  }
0x29e: {  	[tilespmem:s17+$0x8260] =	vst v4  }
0x29f: {  	v4 =	vld [tilespmem:s18+$0xA];
	_ =	sdelay $0x4  }
0x2a0: {  	(v2sf) =	vpush v4, $0x0;
	_ =	sdelay $0xe  }
0x2a1: {  	s29 =	spop (v2sf)  }
0x2a2: {  	s20 =	sadd.s32 $0x2318600, s29  }
0x2a3: {  	v4 =	vadd.s32 s20, v1  }
0x2a4: {  	[tilespmem:s17+$0x8270] =	vst v4  }
0x2a5: {  	v4 =	vld [tilespmem:s19+$0x18];
	_ =	sdelay $0x4  }
0x2a6: {  	(v2sf) =	vpush v4, $0x0;
	_ =	sdelay $0xe  }
0x2a7: {  	s30 =	spop (v2sf)  }
0x2a8: {  	s19 =	sadd.s32 $0x249F000, s30  }
0x2a9: {  	v4 =	vadd.s32 s19, v1  }
0x2aa: {  	[tilespmem:s17+$0x8280] =	vst v4  }
0x2ab: {  	v4 =	vld [tilespmem:s18+$0xC];
	_ =	sdelay $0x4  }
0x2ac: {  	(v2sf) =	vpush v4, $0x0;
	_ =	sdelay $0xe  }
0x2ad: {  	s31 =	spop (v2sf)  }
0x2ae: {  	s18 =	sadd.s32 $0x2625A00, s31  }
0x2af: {  	v4 =	vadd.s32 s18, v1  }
0x2b0: {  	[tilespmem:s17+$0x8290] =	vst v4;
	s17 =	simm.s32 $0x71  }
0x2b1: {  	s20 =	simm.s32 $0xD00;
	s19 =	simm.s32 $0x680;
	s18 =	simm.s32 $0x0;
	v4 =	vld.msk [tilespmem:s17+$0xFFFFFFF3 ss:$0x0], $0xffff  }
.LBB2_7:
0x2b2: {  	p0 =	sne.s32 s20, $0x19980;
	_ =	sdelay $0x4  }
0x2b3: {  	s21 =	sshra.s32 s19, $0x2;
	s19 =	smov.u32 s20;
	v4 =	vadd.s32 v1, v4  }
0x2b4: {  	[tilespmem:s21+$0x8100] =	vst v4  }
0x2b5: {  	v4 =	vld [tilespmem:s17+$0xFFFFFFF4];
	_ =	sdelay $0x4  }
0x2b6: {  	(v2sf) =	vpush v4, $0x0;
	_ =	sdelay $0xe  }
0x2b7: {  	s22 =	spop (v2sf)  }
0x2b8: {  	s22 =	sadd.s32 $0x186A00, s22  }
0x2b9: {  	v4 =	vadd.s32 s22, v1  }
0x2ba: {  	[tilespmem:s21+$0x8110] =	vst v4  }
0x2bb: {  	v4 =	vld [tilespmem:s17+$0xFFFFFFF5];
	_ =	sdelay $0x4  }
0x2bc: {  	(v2sf) =	vpush v4, $0x0;
	_ =	sdelay $0xe  }
0x2bd: {  	s22 =	spop (v2sf)  }
0x2be: {  	s22 =	sadd.s32 $0x30D400, s22  }
0x2bf: {  	v4 =	vadd.s32 s22, v1  }
0x2c0: {  	[tilespmem:s21+$0x8120] =	vst v4  }
0x2c1: {  	v4 =	vld [tilespmem:s17+$0xFFFFFFF6];
	_ =	sdelay $0x4  }
0x2c2: {  	(v2sf) =	vpush v4, $0x0;
	_ =	sdelay $0xe  }
0x2c3: {  	s22 =	spop (v2sf)  }
0x2c4: {  	s22 =	sadd.s32 $0x493E00, s22  }
0x2c5: {  	v4 =	vadd.s32 s22, v1  }
0x2c6: {  	[tilespmem:s21+$0x8130] =	vst v4  }
0x2c7: {  	v4 =	vld [tilespmem:s17+$0xFFFFFFF7];
	_ =	sdelay $0x4  }
0x2c8: {  	(v2sf) =	vpush v4, $0x0;
	_ =	sdelay $0xe  }
0x2c9: {  	s22 =	spop (v2sf)  }
0x2ca: {  	s22 =	sadd.s32 $0x61A800, s22  }
0x2cb: {  	v4 =	vadd.s32 s22, v1  }
0x2cc: {  	[tilespmem:s21+$0x8140] =	vst v4  }
0x2cd: {  	v4 =	vld [tilespmem:s17+$0xFFFFFFF8];
	_ =	sdelay $0x4  }
0x2ce: {  	(v2sf) =	vpush v4, $0x0;
	_ =	sdelay $0xe  }
0x2cf: {  	s22 =	spop (v2sf)  }
0x2d0: {  	s22 =	sadd.s32 $0x7A1200, s22  }
0x2d1: {  	v4 =	vadd.s32 s22, v1  }
0x2d2: {  	[tilespmem:s21+$0x8150] =	vst v4  }
0x2d3: {  	v4 =	vld [tilespmem:s17+$0xFFFFFFF9];
	_ =	sdelay $0x4  }
0x2d4: {  	(v2sf) =	vpush v4, $0x0;
	_ =	sdelay $0xe  }
0x2d5: {  	s22 =	spop (v2sf)  }
0x2d6: {  	s22 =	sadd.s32 $0x927C00, s22  }
0x2d7: {  	v4 =	vadd.s32 s22, v1  }
0x2d8: {  	[tilespmem:s21+$0x8160] =	vst v4  }
0x2d9: {  	v4 =	vld [tilespmem:s17+$0xFFFFFFFA];
	_ =	sdelay $0x4  }
0x2da: {  	(v2sf) =	vpush v4, $0x0;
	_ =	sdelay $0xe  }
0x2db: {  	s22 =	spop (v2sf)  }
0x2dc: {  	s22 =	sadd.s32 $0xAAE600, s22  }
0x2dd: {  	s18 =	sadd.s32 $0x64, s18;
	v4 =	vadd.s32 s22, v1  }
0x2de: {  	s22 =	sand.u32 $0x1FFC, s18;
	[tilespmem:s21+$0x8170] =	vst v4  }
0x2df: {  	v4 =	vld [tilespmem:s22+$0x8];
	_ =	sdelay $0x4  }
0x2e0: {  	(v2sf) =	vpush v4, $0x0;
	_ =	sdelay $0xe  }
0x2e1: {  	s23 =	spop (v2sf)  }
0x2e2: {  	s23 =	sadd.s32 $0xC35000, s23  }
0x2e3: {  	v4 =	vadd.s32 s23, v1  }
0x2e4: {  	[tilespmem:s21+$0x8180] =	vst v4  }
0x2e5: {  	v4 =	vld [tilespmem:s17+$0xFFFFFFFC];
	_ =	sdelay $0x4  }
0x2e6: {  	(v2sf) =	vpush v4, $0x0;
	_ =	sdelay $0xe  }
0x2e7: {  	s23 =	spop (v2sf)  }
0x2e8: {  	s23 =	sadd.s32 $0xDBBA00, s23  }
0x2e9: {  	v4 =	vadd.s32 s23, v1  }
0x2ea: {  	[tilespmem:s21+$0x8190] =	vst v4  }
0x2eb: {  	v4 =	vld [tilespmem:s17+$0xFFFFFFFD];
	_ =	sdelay $0x4  }
0x2ec: {  	(v2sf) =	vpush v4, $0x0;
	_ =	sdelay $0xe  }
0x2ed: {  	s23 =	spop (v2sf)  }
0x2ee: {  	s23 =	sadd.s32 $0xF42400, s23  }
0x2ef: {  	v4 =	vadd.s32 s23, v1  }
0x2f0: {  	[tilespmem:s21+$0x81A0] =	vst v4  }
0x2f1: {  	v4 =	vld [tilespmem:s17+$0xFFFFFFFE];
	_ =	sdelay $0x4  }
0x2f2: {  	(v2sf) =	vpush v4, $0x0;
	_ =	sdelay $0xe  }
0x2f3: {  	s23 =	spop (v2sf)  }
0x2f4: {  	s23 =	sadd.s32 $0x10C8E00, s23  }
0x2f5: {  	v4 =	vadd.s32 s23, v1  }
0x2f6: {  	[tilespmem:s21+$0x81B0] =	vst v4  }
0x2f7: {  	v4 =	vld [tilespmem:s17+$0xFFFFFFFF];
	_ =	sdelay $0x4  }
0x2f8: {  	(v2sf) =	vpush v4, $0x0;
	_ =	sdelay $0xe  }
0x2f9: {  	s23 =	spop (v2sf)  }
0x2fa: {  	s23 =	sadd.s32 $0x124F800, s23  }
0x2fb: {  	v4 =	vadd.s32 s23, v1  }
0x2fc: {  	[tilespmem:s21+$0x81C0] =	vst v4  }
0x2fd: {  	v4 =	vld [tilespmem:s17+$0x0];
	_ =	sdelay $0x4  }
0x2fe: {  	(v2sf) =	vpush v4, $0x0;
	_ =	sdelay $0xe  }
0x2ff: {  	s23 =	spop (v2sf)  }
0x300: {  	s23 =	sadd.s32 $0x13D6200, s23  }
0x301: {  	v4 =	vadd.s32 s23, v1  }
0x302: {  	[tilespmem:s21+$0x81D0] =	vst v4  }
0x303: {  	v4 =	vld [tilespmem:s17+$0x1];
	_ =	sdelay $0x4  }
0x304: {  	(v2sf) =	vpush v4, $0x0;
	_ =	sdelay $0xe  }
0x305: {  	s23 =	spop (v2sf)  }
0x306: {  	s23 =	sadd.s32 $0x155CC00, s23  }
0x307: {  	v4 =	vadd.s32 s23, v1  }
0x308: {  	[tilespmem:s21+$0x81E0] =	vst v4  }
0x309: {  	v4 =	vld [tilespmem:s17+$0x2];
	_ =	sdelay $0x4  }
0x30a: {  	(v2sf) =	vpush v4, $0x0;
	_ =	sdelay $0xe  }
0x30b: {  	s23 =	spop (v2sf)  }
0x30c: {  	s23 =	sadd.s32 $0x16E3600, s23  }
0x30d: {  	v4 =	vadd.s32 s23, v1  }
0x30e: {  	[tilespmem:s21+$0x81F0] =	vst v4  }
0x30f: {  	v4 =	vld [tilespmem:s22+$0x10];
	_ =	sdelay $0x4  }
0x310: {  	(v2sf) =	vpush v4, $0x0;
	_ =	sdelay $0xe  }
0x311: {  	s23 =	spop (v2sf)  }
0x312: {  	s23 =	sadd.s32 $0x186A000, s23  }
0x313: {  	v4 =	vadd.s32 s23, v1  }
0x314: {  	[tilespmem:s21+$0x8200] =	vst v4  }
0x315: {  	v4 =	vld [tilespmem:s17+$0x4];
	_ =	sdelay $0x4  }
0x316: {  	(v2sf) =	vpush v4, $0x0;
	_ =	sdelay $0xe  }
0x317: {  	s23 =	spop (v2sf)  }
0x318: {  	s23 =	sadd.s32 $0x19F0A00, s23  }
0x319: {  	v4 =	vadd.s32 s23, v1  }
0x31a: {  	[tilespmem:s21+$0x8210] =	vst v4  }
0x31b: {  	v4 =	vld [tilespmem:s17+$0x5];
	_ =	sdelay $0x4  }
0x31c: {  	(v2sf) =	vpush v4, $0x0;
	_ =	sdelay $0xe  }
0x31d: {  	s23 =	spop (v2sf)  }
0x31e: {  	s23 =	sadd.s32 $0x1B77400, s23  }
0x31f: {  	v4 =	vadd.s32 s23, v1  }
0x320: {  	[tilespmem:s21+$0x8220] =	vst v4  }
0x321: {  	v4 =	vld [tilespmem:s17+$0x6];
	_ =	sdelay $0x4  }
0x322: {  	(v2sf) =	vpush v4, $0x0;
	_ =	sdelay $0xe  }
0x323: {  	s23 =	spop (v2sf)  }
0x324: {  	s23 =	sadd.s32 $0x1CFDE00, s23  }
0x325: {  	v4 =	vadd.s32 s23, v1  }
0x326: {  	[tilespmem:s21+$0x8230] =	vst v4  }
0x327: {  	v4 =	vld [tilespmem:s17+$0x7];
	_ =	sdelay $0x4  }
0x328: {  	(v2sf) =	vpush v4, $0x0;
	_ =	sdelay $0xe  }
0x329: {  	s23 =	spop (v2sf)  }
0x32a: {  	s23 =	sadd.s32 $0x1E84800, s23  }
0x32b: {  	v4 =	vadd.s32 s23, v1  }
0x32c: {  	[tilespmem:s21+$0x8240] =	vst v4  }
0x32d: {  	v4 =	vld [tilespmem:s17+$0x8];
	_ =	sdelay $0x4  }
0x32e: {  	(v2sf) =	vpush v4, $0x0;
	_ =	sdelay $0xe  }
0x32f: {  	s23 =	spop (v2sf)  }
0x330: {  	s23 =	sadd.s32 $0x200B200, s23  }
0x331: {  	v4 =	vadd.s32 s23, v1  }
0x332: {  	[tilespmem:s21+$0x8250] =	vst v4  }
0x333: {  	v4 =	vld [tilespmem:s17+$0x9];
	_ =	sdelay $0x4  }
0x334: {  	(v2sf) =	vpush v4, $0x0;
	_ =	sdelay $0xe  }
0x335: {  	s23 =	spop (v2sf)  }
0x336: {  	s23 =	sadd.s32 $0x2191C00, s23  }
0x337: {  	v4 =	vadd.s32 s23, v1  }
0x338: {  	[tilespmem:s21+$0x8260] =	vst v4  }
0x339: {  	v4 =	vld [tilespmem:s17+$0xA];
	_ =	sdelay $0x4  }
0x33a: {  	(v2sf) =	vpush v4, $0x0;
	_ =	sdelay $0xe  }
0x33b: {  	s23 =	spop (v2sf)  }
0x33c: {  	s23 =	sadd.s32 $0x2318600, s23  }
0x33d: {  	v4 =	vadd.s32 s23, v1  }
0x33e: {  	[tilespmem:s21+$0x8270] =	vst v4  }
0x33f: {  	v4 =	vld [tilespmem:s22+$0x18];
	_ =	sdelay $0x4  }
0x340: {  	(v2sf) =	vpush v4, $0x0;
	_ =	sdelay $0xe  }
0x341: {  	s22 =	spop (v2sf)  }
0x342: {  	s22 =	sadd.s32 $0x249F000, s22  }
0x343: {  	v4 =	vadd.s32 s22, v1  }
0x344: {  	[tilespmem:s21+$0x8280] =	vst v4  }
0x345: {  	v4 =	vld [tilespmem:s17+$0xC];
	_ =	sdelay $0x4  }
0x346: {  	(v2sf) =	vpush v4, $0x0;
	_ =	sdelay $0xe  }
.Ltmp4:
0x347: {  	s22 =	spop (v2sf);
	(pc) =	sbr.rel @p0 .LBB2_7-.Ltmp4, $4  }
0x348: {  	s22 =	sadd.s32 $0x2625A00, s22  }
0x349: {  	v4 =	vadd.s32 s22, v1  }
0x34a: {  	s17 =	sadd.s32 $0x64, s17;
	[tilespmem:s21+$0x8290] =	vst v4  }
0x34b: {  	s20 =	sadd.s32 $0x680, s20;
	v4 =	vld.msk [tilespmem:s17+$0xFFFFFFF3 ss:$0x0], $0xffff  }
0x34c: {  	_ =	sdelay $0x3  }
0x34d: {  	s19 =	sshra.s32 s19, $0x2;
	v4 =	vadd.s32 v1, v4  }
0x34e: {  	[tilespmem:s19+$0x8100] =	vst v4  }
0x34f: {  	v4 =	vld [tilespmem:s17+$0xFFFFFFF4];
	_ =	sdelay $0x4  }
0x350: {  	(v2sf) =	vpush v4, $0x0;
	_ =	sdelay $0xe  }
0x351: {  	s20 =	spop (v2sf)  }
0x352: {  	s20 =	sadd.s32 $0x186A00, s20  }
0x353: {  	v4 =	vadd.s32 s20, v1  }
0x354: {  	[tilespmem:s19+$0x8110] =	vst v4  }
0x355: {  	v4 =	vld [tilespmem:s17+$0xFFFFFFF5];
	_ =	sdelay $0x4  }
0x356: {  	(v2sf) =	vpush v4, $0x0;
	_ =	sdelay $0xe  }
0x357: {  	s28 =	spop (v2sf)  }
0x358: {  	s20 =	sadd.s32 $0x30D400, s28  }
0x359: {  	v4 =	vadd.s32 s20, v1  }
0x35a: {  	[tilespmem:s19+$0x8120] =	vst v4  }
0x35b: {  	v4 =	vld [tilespmem:s17+$0xFFFFFFF6];
	_ =	sdelay $0x4  }
0x35c: {  	(v2sf) =	vpush v4, $0x0;
	_ =	sdelay $0xe  }
0x35d: {  	s29 =	spop (v2sf)  }
0x35e: {  	s20 =	sadd.s32 $0x493E00, s29  }
0x35f: {  	v4 =	vadd.s32 s20, v1  }
0x360: {  	[tilespmem:s19+$0x8130] =	vst v4  }
0x361: {  	v4 =	vld [tilespmem:s17+$0xFFFFFFF7];
	_ =	sdelay $0x4  }
0x362: {  	(v2sf) =	vpush v4, $0x0;
	_ =	sdelay $0xe  }
0x363: {  	s30 =	spop (v2sf)  }
0x364: {  	s20 =	sadd.s32 $0x61A800, s30  }
0x365: {  	v4 =	vadd.s32 s20, v1  }
0x366: {  	[tilespmem:s19+$0x8140] =	vst v4  }
0x367: {  	v4 =	vld [tilespmem:s17+$0xFFFFFFF8];
	_ =	sdelay $0x4  }
0x368: {  	(v2sf) =	vpush v4, $0x0;
	_ =	sdelay $0xe  }
0x369: {  	s31 =	spop (v2sf)  }
0x36a: {  	s20 =	sadd.s32 $0x7A1200, s31  }
0x36b: {  	v4 =	vadd.s32 s20, v1  }
0x36c: {  	[tilespmem:s19+$0x8150] =	vst v4  }
0x36d: {  	v4 =	vld [tilespmem:s17+$0xFFFFFFF9];
	_ =	sdelay $0x4  }
0x36e: {  	(v2sf) =	vpush v4, $0x0;
	_ =	sdelay $0xe  }
0x36f: {  	s21 =	spop (v2sf)  }
0x370: {  	s20 =	sadd.s32 $0x927C00, s21  }
0x371: {  	v4 =	vadd.s32 s20, v1  }
0x372: {  	[tilespmem:s19+$0x8160] =	vst v4  }
0x373: {  	v4 =	vld [tilespmem:s17+$0xFFFFFFFA];
	_ =	sdelay $0x4  }
0x374: {  	(v2sf) =	vpush v4, $0x0;
	_ =	sdelay $0xe  }
0x375: {  	s22 =	spop (v2sf)  }
0x376: {  	s20 =	sadd.s32 $0xAAE600, s22  }
0x377: {  	s18 =	sadd.s32 $0x64, s18;
	v4 =	vadd.s32 s20, v1  }
0x378: {  	s18 =	sand.u32 $0x1FFC, s18;
	[tilespmem:s19+$0x8170] =	vst v4  }
0x379: {  	v4 =	vld [tilespmem:s18+$0x8];
	_ =	sdelay $0x4  }
0x37a: {  	(v2sf) =	vpush v4, $0x0;
	_ =	sdelay $0xe  }
0x37b: {  	s23 =	spop (v2sf)  }
0x37c: {  	s20 =	sadd.s32 $0xC35000, s23  }
0x37d: {  	v4 =	vadd.s32 s20, v1  }
0x37e: {  	[tilespmem:s19+$0x8180] =	vst v4  }
0x37f: {  	v4 =	vld [tilespmem:s17+$0xFFFFFFFC];
	_ =	sdelay $0x4  }
0x380: {  	(v2sf) =	vpush v4, $0x0;
	_ =	sdelay $0xe  }
0x381: {  	s24 =	spop (v2sf)  }
0x382: {  	s20 =	sadd.s32 $0xDBBA00, s24  }
0x383: {  	v4 =	vadd.s32 s20, v1  }
0x384: {  	[tilespmem:s19+$0x8190] =	vst v4  }
0x385: {  	v4 =	vld [tilespmem:s17+$0xFFFFFFFD];
	_ =	sdelay $0x4  }
0x386: {  	(v2sf) =	vpush v4, $0x0;
	_ =	sdelay $0xe  }
0x387: {  	s25 =	spop (v2sf)  }
0x388: {  	s20 =	sadd.s32 $0xF42400, s25  }
0x389: {  	v4 =	vadd.s32 s20, v1  }
0x38a: {  	[tilespmem:s19+$0x81A0] =	vst v4  }
0x38b: {  	v4 =	vld [tilespmem:s17+$0xFFFFFFFE];
	_ =	sdelay $0x4  }
0x38c: {  	(v2sf) =	vpush v4, $0x0;
	_ =	sdelay $0xe  }
0x38d: {  	s26 =	spop (v2sf)  }
0x38e: {  	s20 =	sadd.s32 $0x10C8E00, s26  }
0x38f: {  	v4 =	vadd.s32 s20, v1  }
0x390: {  	[tilespmem:s19+$0x81B0] =	vst v4  }
0x391: {  	v4 =	vld [tilespmem:s17+$0xFFFFFFFF];
	_ =	sdelay $0x4  }
0x392: {  	(v2sf) =	vpush v4, $0x0;
	_ =	sdelay $0xe  }
0x393: {  	s28 =	spop (v2sf)  }
0x394: {  	s20 =	sadd.s32 $0x124F800, s28  }
0x395: {  	v4 =	vadd.s32 s20, v1  }
0x396: {  	[tilespmem:s19+$0x81C0] =	vst v4  }
0x397: {  	v4 =	vld [tilespmem:s17+$0x0];
	_ =	sdelay $0x4  }
0x398: {  	(v2sf) =	vpush v4, $0x0;
	_ =	sdelay $0xe  }
0x399: {  	s29 =	spop (v2sf)  }
0x39a: {  	s20 =	sadd.s32 $0x13D6200, s29  }
0x39b: {  	v4 =	vadd.s32 s20, v1  }
0x39c: {  	[tilespmem:s19+$0x81D0] =	vst v4  }
0x39d: {  	v4 =	vld [tilespmem:s17+$0x1];
	_ =	sdelay $0x4  }
0x39e: {  	(v2sf) =	vpush v4, $0x0;
	_ =	sdelay $0xe  }
0x39f: {  	s30 =	spop (v2sf)  }
0x3a0: {  	s20 =	sadd.s32 $0x155CC00, s30  }
0x3a1: {  	v4 =	vadd.s32 s20, v1  }
0x3a2: {  	[tilespmem:s19+$0x81E0] =	vst v4  }
0x3a3: {  	v4 =	vld [tilespmem:s17+$0x2];
	_ =	sdelay $0x4  }
0x3a4: {  	(v2sf) =	vpush v4, $0x0;
	_ =	sdelay $0xe  }
0x3a5: {  	s31 =	spop (v2sf)  }
0x3a6: {  	s20 =	sadd.s32 $0x16E3600, s31  }
0x3a7: {  	v4 =	vadd.s32 s20, v1  }
0x3a8: {  	[tilespmem:s19+$0x81F0] =	vst v4  }
0x3a9: {  	v4 =	vld [tilespmem:s18+$0x10];
	_ =	sdelay $0x4  }
0x3aa: {  	(v2sf) =	vpush v4, $0x0;
	_ =	sdelay $0xe  }
0x3ab: {  	s21 =	spop (v2sf)  }
0x3ac: {  	s20 =	sadd.s32 $0x186A000, s21  }
0x3ad: {  	v4 =	vadd.s32 s20, v1  }
0x3ae: {  	[tilespmem:s19+$0x8200] =	vst v4  }
0x3af: {  	v4 =	vld [tilespmem:s17+$0x4];
	_ =	sdelay $0x4  }
0x3b0: {  	(v2sf) =	vpush v4, $0x0;
	_ =	sdelay $0xe  }
0x3b1: {  	s22 =	spop (v2sf)  }
0x3b2: {  	s20 =	sadd.s32 $0x19F0A00, s22  }
0x3b3: {  	v4 =	vadd.s32 s20, v1  }
0x3b4: {  	[tilespmem:s19+$0x8210] =	vst v4  }
0x3b5: {  	v4 =	vld [tilespmem:s17+$0x5];
	_ =	sdelay $0x4  }
0x3b6: {  	(v2sf) =	vpush v4, $0x0;
	_ =	sdelay $0xe  }
0x3b7: {  	s23 =	spop (v2sf)  }
0x3b8: {  	s20 =	sadd.s32 $0x1B77400, s23  }
0x3b9: {  	v4 =	vadd.s32 s20, v1  }
0x3ba: {  	[tilespmem:s19+$0x8220] =	vst v4  }
0x3bb: {  	v4 =	vld [tilespmem:s17+$0x6];
	_ =	sdelay $0x4  }
0x3bc: {  	(v2sf) =	vpush v4, $0x0;
	_ =	sdelay $0xe  }
0x3bd: {  	s24 =	spop (v2sf)  }
0x3be: {  	s20 =	sadd.s32 $0x1CFDE00, s24  }
0x3bf: {  	v4 =	vadd.s32 s20, v1  }
0x3c0: {  	[tilespmem:s19+$0x8230] =	vst v4  }
0x3c1: {  	v4 =	vld [tilespmem:s17+$0x7];
	_ =	sdelay $0x4  }
0x3c2: {  	(v2sf) =	vpush v4, $0x0;
	_ =	sdelay $0xe  }
0x3c3: {  	s25 =	spop (v2sf)  }
0x3c4: {  	s20 =	sadd.s32 $0x1E84800, s25  }
0x3c5: {  	v4 =	vadd.s32 s20, v1  }
0x3c6: {  	[tilespmem:s19+$0x8240] =	vst v4  }
0x3c7: {  	v4 =	vld [tilespmem:s17+$0x8];
	_ =	sdelay $0x4  }
0x3c8: {  	(v2sf) =	vpush v4, $0x0;
	_ =	sdelay $0xe  }
0x3c9: {  	s26 =	spop (v2sf)  }
0x3ca: {  	s20 =	sadd.s32 $0x200B200, s26  }
0x3cb: {  	v4 =	vadd.s32 s20, v1  }
0x3cc: {  	[tilespmem:s19+$0x8250] =	vst v4  }
0x3cd: {  	v4 =	vld [tilespmem:s17+$0x9];
	_ =	sdelay $0x4  }
0x3ce: {  	(v2sf) =	vpush v4, $0x0;
	_ =	sdelay $0xe  }
0x3cf: {  	s28 =	spop (v2sf)  }
0x3d0: {  	s20 =	sadd.s32 $0x2191C00, s28  }
0x3d1: {  	v4 =	vadd.s32 s20, v1  }
0x3d2: {  	[tilespmem:s19+$0x8260] =	vst v4  }
0x3d3: {  	v4 =	vld [tilespmem:s17+$0xA];
	_ =	sdelay $0x4  }
0x3d4: {  	(v2sf) =	vpush v4, $0x0;
	_ =	sdelay $0xe  }
0x3d5: {  	s29 =	spop (v2sf)  }
0x3d6: {  	s20 =	sadd.s32 $0x2318600, s29  }
0x3d7: {  	v4 =	vadd.s32 s20, v1  }
0x3d8: {  	[tilespmem:s19+$0x8270] =	vst v4  }
0x3d9: {  	v4 =	vld [tilespmem:s18+$0x18];
	_ =	sdelay $0x4  }
0x3da: {  	(v2sf) =	vpush v4, $0x0;
	_ =	sdelay $0xe  }
0x3db: {  	s30 =	spop (v2sf)  }
0x3dc: {  	s18 =	sadd.s32 $0x249F000, s30  }
0x3dd: {  	v4 =	vadd.s32 s18, v1  }
0x3de: {  	[tilespmem:s19+$0x8280] =	vst v4  }
0x3df: {  	v4 =	vld [tilespmem:s17+$0xC];
	_ =	sdelay $0x4  }
0x3e0: {  	(v2sf) =	vpush v4, $0x0  }
0x3e1: {  	v8 =	vor.u32 s16, v0  }
0x3e2: {  	v4 =	vshrl.u32 v8, $0x1  }
0x3e3: {  	v4 =	vmulhi.u32 $0xDD67C8A7, v4;
	_ =	sdelay $0x1  }
0x3e4: {  	v5 =	vshrl.u32 v4, $0x5  }
0x3e5: {  	v6 =	vmul.u32 $0xFFFFFFB6, v5  }
0x3e6: {  	v7 =	vmov s16;
	v9 =	vsub.s32 $0x0, v8;
	s18 =	simm.s32 $0x10  }
0x3e7: {  	vm0 =	veq.s32 v7, v0;
	v4 =	vor.u32 s18, v0;
	vm1 =	vne.s32 v6, v9  }
0x3e8: {  	v6 =	vshrl.u32 v4, $0x1;
	vm0 =	vmand vm0, vm1  }
0x3e9: {  	v6 =	vmulhi.u32 $0xDD67C8A7, v6;
	v7 =	vsel vm0, $0xFFFFFFFF, v2  }
0x3ea: {  	v9 =	vadd.s32 v7, v5  }
0x3eb: {  	v6 =	vshrl.u32 v6, $0x5;
	v5 =	vmul.u32 $0x1A, v9  }
0x3ec: {  	v7 =	vmov s18;
	v10 =	vmul.u32 $0xFFFFFFB6, v6  }
0x3ed: {  	vm14 =	veq.s32 v7, v0;
	v7 =	vsub.s32 $0x0, v4;
	v12 =	vadd.s32 s16, v5  }
0x3ee: {  	vm15 =	vne.s32 v10, v7;
	v7 =	vadd.s32 v3, v12;
	s31 =	spop (v2sf)  }
0x3ef: {  	s17 =	sadd.s32 $0x2625A00, s31  }
0x3f0: {  	v13 =	vmul.u32 $0xFFFFFFB6, v9;
	v11 =	vadd.s32 s17, v1;
	s17 =	simm.s32 $0x20  }
0x3f1: {  	v9 =	vmul.u32 $0x1F0, v9;
	vm0 =	vmand vm14, vm15;
	v5 =	vor.u32 s17, v0  }
0x3f2: {  	v8 =	vadd.s32 v8, v13;
	s16 =	simm.s32 $0x0;
	[tilespmem:s19+$0x8290] =	vst v11;
	s19 =	simm.s32 $0x30;
	v11 =	vsel vm0, $0xFFFFFFFF, v2;
	v10 =	vshrl.u32 v5, $0x1  }
.LBB2_9:
0x3f3: {  	p0 =	sne.s32 s19, $0x1270;
	v10 =	vmulhi.u32 $0xDD67C8A7, v10;
	v12 =	vadd.s32 v11, v6;
	v11 =	vld.idx.msk [tilespmem:v7+s16+$0x0], $0xffff;
	v6 =	vand.u32 $0xFFFFFFF8, v8;
	v13 =	vmovc v5  }
0x3f4: {  	v7 =	vand.u32 $0x7, v8;
	v5 =	vmul.u32 $0x1A, v12;
	v6 =	vadd.s32 v6, v9  }
0x3f5: {  	v7 =	vor.u32 v7, v6  }
0x3f6: {  	v6 =	vshrl.u32 v10, $0x5;
	v5 =	vadd.s32 s18, v5;
	v14 =	vadd.s32 $0x7DA0, v7;
	s18 =	smov.u32 s17;
	s17 =	smov.u32 s19  }
.Ltmp5:
0x3f7: {  	v9 =	vmul.u32 $0xFFFFFFB6, v6;
	v8 =	vmov s18;
	v7 =	vadd.s32 v3, v5;
	(pc) =	sbr.rel @p0 .LBB2_9-.Ltmp5, $4  }
0x3f8: {  	v5 =	vor.u32 s19, v0;
	vm0 =	veq.s32 v8, v0;
	v8 =	vsub.s32 $0x0, v13  }
0x3f9: {  	v15 =	vcvt.s32.f32 v11;
	vm1 =	vne.s32 v9, v8;
	v8 =	vmul.u32 $0xFFFFFFB6, v12  }
0x3fa: {  	v10 =	vshrl.u32 v5, $0x1;
	vm0 =	vmand vm0, vm1  }
0x3fb: {  	s19 =	sadd.s32 $0x10, s19;
	v9 =	vmul.u32 $0x1F0, v12;
	v11 =	vsel vm0, $0xFFFFFFFF, v2;
	v8 =	vadd.s32 v4, v8;
	[tilespmem:v14+s9+$0x0] =	vst.idx.msk $0xffff, v15;
	v4 =	vmovc v13  }
0x3fc: {  	_ =	sdelay $0x2  }
0x3fd: {  	v10 =	vmulhi.u32 $0xDD67C8A7, v10;
	v6 =	vadd.s32 v11, v6;
	v50 =	vand.u32 $0xFFFFFFF8, v8  }
0x3fe: {  	v7 =	vld.idx.msk [tilespmem:v7+s16+$0x0], $0xffff;
	v51 =	vand.u32 $0x7, v8;
	v12 =	vmul.u32 $0x1A, v6;
	v9 =	vadd.s32 v50, v9  }
0x3ff: {  	v8 =	vor.u32 v51, v9;
	v52 =	vshrl.u32 v10, $0x5  }
0x400: {  	v53 =	vadd.s32 s18, v12;
	v8 =	vadd.s32 $0x7DA0, v8;
	v54 =	vmul.u32 $0xFFFFFFB6, v52  }
0x401: {  	v55 =	vmov s17;
	v13 =	vsub.s32 $0x0, v5;
	v10 =	vadd.s32 v3, v53  }
0x402: {  	vm0 =	veq.s32 v55, v0;
	v56 =	vmul.u32 $0xFFFFFFB6, v6;
	vm1 =	vne.s32 v54, v13  }
0x403: {  	v7 =	vcvt.s32.f32 v7;
	vm0 =	vmand vm0, vm1  }
0x404: {  	v6 =	vmul.u32 $0x1F0, v6;
	v4 =	vadd.s32 v4, v56;
	v57 =	vsel vm0, $0xFFFFFFFF, v2  }
0x405: {  	s30 =	simm.s32 $0x0;
	v59 =	vand.u32 $0xFFFFFFF8, v4;
	[tilespmem:v8+s9+$0x0] =	vst.idx.msk $0xffff, v7;
	v58 =	vadd.s32 v57, v52  }
0x406: {  	v4 =	vand.u32 $0x7, v4;
	v6 =	vadd.s32 v59, v6;
	v60 =	vld.idx.msk [tilespmem:v10+s30+$0x0], $0xffff;
	v61 =	vmul.u32 $0x1A, v58  }
0x407: {  	v4 =	vor.u32 v4, v6  }
0x408: {  	v4 =	vadd.s32 $0x7DA0, v4;
	v62 =	vadd.s32 s17, v61  }
0x409: {  	v6 =	vadd.s32 v3, v62  }
0x40a: {  	v63 =	vmul.u32 $0xFFFFFFB6, v58  }
0x40b: {  	v9 =	vcvt.s32.f32 v60  }
0x40c: {  	v7 =	vmul.u32 $0x1F0, v58;
	v5 =	vadd.s32 v5, v63  }
0x40d: {  	s31 =	simm.s32 $0x0;
	[tilespmem:v4+s9+$0x0] =	vst.idx.msk $0xffff, v9;
	v4 =	vand.u32 $0xFFFFFFF8, v5  }
0x40e: {  	v5 =	vand.u32 $0x7, v5;
	v6 =	vld.idx.msk [tilespmem:v6+s31+$0x0], $0xffff;
	v4 =	vadd.s32 v4, v7  }
0x40f: {  	v4 =	vor.u32 v5, v4  }
0x410: {  	p1 =	por $0x1, $0x1;
	v4 =	vadd.s32 $0x7DA0, v4  }
.Ltmp6:
0x411: {  	_ = 	snop;
	(pc) =	sbr.rel @!p1 .LBB2_11-.Ltmp6, $3  }
0x412: {  	_ = 	snop  }
0x413: {  	v5 =	vcvt.s32.f32 v6;
	_ =	sdelay $0x1  }
0x414: {  	s16 =	simm.s32 $0x0;
	p0 =	por $0x0, $0x0;
	s17 =	simm.s32 $0x1900;
	[tilespmem:v4+s9+$0x0] =	vst.idx.msk $0xffff, v5  }
0x415: {  	s16 =	simm.s32 $0xE900  }
0x416: {  	s29 =	simm.s32 $0xE968;
	s30 =	simm.s32 $0x1968;
	p1 =	por $0x1, $0x1  }
0x417: {  	[tilespmem:s16], [sflag:$0x2] =	stream.indirect.gather [hbm4b:s5+s10], $0x1, s17, s10, $0xb8;
	[tilespmem:$0x1E100] =	vst v63  }
.Ltmp7:
0x418: {  	s31 =	simm.s32 $0xE9D0;
	s18 =	simm.s32 $0x19D0;
	(pc) =	sbr.rel @!p1 .LBB2_14-.Ltmp7, $4  }
0x419: {  	[tilespmem:s29], [sflag:$0x2] =	stream.indirect.gather [hbm4b:s5+s10], $0x1, s30, s10, $0xb8;
	[tilespmem:$0x1E100] =	vst v63  }
0x41a: {  	s19 =	simm.s32 $0xEA38;
	s20 =	simm.s32 $0x1A38;
	p0 =	por $0x1, $0x1  }
0x41b: {  	[tilespmem:s31], [sflag:$0x2] =	stream.indirect.gather [hbm4b:s5+s10], $0x1, s18, s10, $0xb8;
	[tilespmem:$0x1E100] =	vst v63  }
0x41c: {  	s16 =	simm.s32 $0x1F0;
	s17 =	simm.s32 $0x1AA0;
	s18 =	simm.s32 $0xF80  }
.LBB2_13:
0x41d: {  	[tilespmem:s19], [sflag:$0x2] =	stream.indirect.gather [hbm4b:s5+s10], $0x1, s20, s10, $0xb8;
	[tilespmem:$0x1E100] =	vst v63  }
0x41e: {  	s19 =	smov.u32 s16;
	s16 =	smov.u32 s18;
	s21 =	sadd.s32 $0x7C0, s18  }
0x41f: {  	p1 =	sne.s32 s18, $0x3D840;
	s16 =	sshra.s32 s16, $0x2;
	s20 =	sadd.s32 $0xE900, s19  }
0x420: {  	[tilespmem:s20], [sflag:$0x2] =	stream.indirect.gather [hbm4b:s5+s10], $0x1, s17, s10, $0xb8;
	[tilespmem:$0x1E100] =	vst v63  }
.Ltmp8:
0x421: {  	s22 =	sadd.s32 $0x68, s17;
	s20 =	sadd.s32 $0xE968, s19;
	(pc) =	sbr.rel @p1 .LBB2_13-.Ltmp8, $4  }
0x422: {  	[tilespmem:s20], [sflag:$0x2] =	stream.indirect.gather [hbm4b:s5+s10], $0x1, s22, s10, $0xb8;
	[tilespmem:$0x1E100] =	vst v63  }
0x423: {  	s18 =	sadd.s32 $0xE9D0, s19;
	s19 =	sadd.s32 $0xEA38, s19;
	s20 =	sadd.s32 $0xD0, s17  }
0x424: {  	[tilespmem:s18], [sflag:$0x2] =	stream.indirect.gather [hbm4b:s5+s10], $0x1, s20, s10, $0xb8;
	[tilespmem:$0x1E100] =	vst v63  }
0x425: {  	s20 =	sadd.s32 $0x138, s17;
	s17 =	sadd.s32 $0x1A0, s17;
	s18 =	smov.u32 s21  }
.LBB2_14:
0x426: {  	[tilespmem:s19], [sflag:$0x2] =	stream.indirect.gather @p0 [hbm4b:s5+s10], $0x1, s20, s10, $0xb8;
	[tilespmem:$0x1E100] =	vst v63  }
0x427: {  	s18 =	sadd.s32 $0xE900, s16  }
0x428: {  	[tilespmem:s18], [sflag:$0x2] =	stream.indirect.gather [hbm4b:s5+s10], $0x1, s17, s10, $0xb8;
	[tilespmem:$0x1E100] =	vst v63  }
0x429: {  	s25 =	sadd.s32 $0xE968, s16;
	s26 =	sadd.s32 $0x68, s17  }
0x42a: {  	[tilespmem:s25], [sflag:$0x2] =	stream.indirect.gather [hbm4b:s5+s10], $0x1, s26, s10, $0xb8;
	[tilespmem:$0x1E100] =	vst v63  }
0x42b: {  	s28 =	sadd.s32 $0xE9D0, s16;
	s29 =	sadd.s32 $0xD0, s17  }
0x42c: {  	[tilespmem:s28], [sflag:$0x2] =	stream.indirect.gather [hbm4b:s5+s10], $0x1, s29, s10, $0xb8;
	[tilespmem:$0x1E100] =	vst v63  }
0x42d: {  	s30 =	sadd.s32 $0xEA38, s16;
	s31 =	sadd.s32 $0x138, s17  }
0x42e: {  	[tilespmem:s30], [sflag:$0x2] =	stream.indirect.gather [hbm4b:s5+s10], $0x1, s31, s10, $0xb8;
	[tilespmem:$0x1E100] =	vst v63  }
0x42f: {  	s15 =	smul.u32 $0x3E, s15;
	_ =	swait.ge [sflag:s11], $0xD000  }
0x430: {  	s14 =	sadd.s32 $0x1, s14;
	[sflag:s11] =	ssyncset.done $0x0  }
0x431: {  	p0 =	sne.s32 s14, $0x4;
	s15 =	sadd.s32 s1, s15;
	[sflag:s11] =	ssyncadd.s32 $0xFFFF3000  }
0x432: {  	[hbm4b:s15+s2] =	stream.linear.scatter [tilespmem:s9], [sflag:$0x3], $0xF800, $0x38;
	[tilespmem:$0x1E100] =	vst v63  }
.Ltmp9:
0x433: {  	_ = 	snop;
	(pc) =	sbr.rel @p0 .LBB2_2-.Ltmp9, $4  }
.Ltmp10:
0x434: {  	_ = 	snop;
	(pc) =	sbr.rel @!p0 .LBB2_15-.Ltmp10, $4  }
0x435: {  	_ =	swait.ge [sflag:s12], $0xF800  }
0x436: {  	[sflag:s12] =	ssyncset.done $0x0  }
0x437: {  	[sflag:s12] =	ssyncadd.s32 $0xFFFF0800  }
0x438: {  	_ = 	snop  }
.LBB2_11:
.Ltmp11:
0x439: {  	(pc) =	sbr.rel .LBB2_14-.Ltmp11, $2  }
0x43a: {  	_ =	sdelay $0x2  }
0x43b: {  	_ = 	snop  }
.LBB2_16:
0x43c: {  	_ =	sfence.sel $0x180000  }
0x43d: {  	[bflag:$0x0] =	sbarrier.arrive $0xFFFF  }
0x43e: {  	p0 =	sne.s32 s3, $0x0;
	_ =	strace $0x90000047  }
0x43f: {  	s0 =	sadd.s32 @!p0 $0x100000, s0;
	[bflag:$0x2] =	sbarrier.arrive $0xFFFF  }
0x440: {  	[sflag:s0] =	ssyncadd.tile.s32 @!p0 $0x1;
	_ =	shalt  }
.Lfunc_end2:
_tile_overlayer_lowered:
.L_overlay_start_2:
0x441: {  	(tag) =	ssettag $0x2  }
0x442: {  	s0 =	rddreg [dreg:$0x0];
	s2 =	stileid.u32  }
0x443: {  	s1 =	rddreg [dreg:$0x1];
	p0 =	sne.s32 s2, $0x0  }
0x444: {  	s3 =	rddreg [dreg:$0x2];
	[bflag:$0x3] =	sbarrier.arrive $0xFFFF;
	s2 =	simm.s32 @!p0 $0x1C03  }
0x445: {  	[timem:s3], [sflag:s2] =	dma.local @!p0 [hbm:s0], s1  }
0x446: {  	s0 =	simm.s32 @!p0 $0x3  }
0x447: {  	_ =	swait.ge @!p0 [sflag:s0], s1  }
0x448: {  	s1 =	ssub.s32 @!p0 $0x0, s1;
	[sflag:s0] =	ssyncset.done @!p0 $0x0  }
0x449: {  	[sflag:s0] =	ssyncadd.s32 @!p0 s1  }
0x44a: {  	[bflag:$0x3] =	sbarrier.arrive $0xFFFF  }
0x44b: {  	_ =	shalt  }

</sc_bundles>
